<compile_context>
chip_gen: v7x
topology: tpu7x:2x2x1
jax: 0.10.2.dev20260603
libtpu: 0.0.44.dev20260713+nightly
codegen_flags: <defaults>
</compile_context>

<pallas_src>
import functools

import jax
import jax.numpy as jnp
from jax import lax
from jax.experimental import pallas as pl
from jax.experimental.pallas import tpu as pltpu
from jax.experimental.pallas import tpu_sc as plsc

K = 16
EPSILON = 1e-4

ROWS = 64
COLS = 4096
LANES = 16
NWORKERS = 32
ROWS_PER_W = ROWS // NWORKERS
NVREG = COLS // LANES
UNROLL = 8

_GATHER_DNUMS = lax.GatherDimensionNumbers(
    offset_dims=(), collapsed_slice_dims=(0,), start_index_map=(0,))


def _shuffle(v, idx):
    return lax.gather(v, idx[:, None], _GATHER_DNUMS, (1,),
                      mode=lax.GatherScatterMode.PROMISE_IN_BOUNDS)


def _lane_reduce(v, op):
    idx0 = lax.iota(jnp.int32, LANES)
    for k in (1, 2, 4, 8):
        v = op(v, _shuffle(v, jnp.bitwise_xor(idx0, k)))
    return v


def _sl(j):
    return pl.ds(j * LANES, LANES)


def _rows_body(p_ref, kh_ref):
    ninf = jnp.full((LANES,), -jnp.inf, jnp.float32)
    zero = jnp.zeros((LANES,), jnp.float32)

    def addmax_body(j, carry):
        m0, m1 = carry
        s = _sl(j)
        x0 = p_ref[0, s] + kh_ref[0, s]
        x1 = p_ref[1, s] + kh_ref[1, s]
        p_ref[0, s] = x0
        p_ref[1, s] = x1
        return jnp.maximum(m0, x0), jnp.maximum(m1, x1)

    m0, m1 = plsc.parallel_loop(0, NVREG, unroll=UNROLL,
                                carry=(ninf, ninf))(addmax_body)
    m0 = _lane_reduce(m0, jnp.maximum)
    m1 = _lane_reduce(m1, jnp.maximum)

    def exp_body(j, carry):
        a0, a1 = carry
        s = _sl(j)
        e0 = jnp.exp(p_ref[0, s] - m0)
        e1 = jnp.exp(p_ref[1, s] - m1)
        p_ref[0, s] = e0
        p_ref[1, s] = e1
        return a0 + e0, a1 + e1

    a0, a1 = plsc.parallel_loop(0, NVREG, unroll=UNROLL,
                                carry=(zero, zero))(exp_body)

    rz0 = 1.0 / _lane_reduce(a0, jnp.add)
    rz1 = 1.0 / _lane_reduce(a1, jnp.add)

    def peel_body(j, carry):
        a0, a1 = carry
        s = _sl(j)
        pj0 = p_ref[0, s] * rz0
        pj1 = p_ref[1, s] * rz1
        kh_ref[0, s] = pj0
        kh_ref[1, s] = pj1
        q0 = pj0 * jnp.maximum(1.0 - pj0, EPSILON)
        q1 = pj1 * jnp.maximum(1.0 - pj1, EPSILON)
        p_ref[0, s] = q0
        p_ref[1, s] = q1
        return a0 + q0, a1 + q1

    a0, a1 = plsc.parallel_loop(0, NVREG, unroll=UNROLL,
                                carry=(zero, zero))(peel_body)

    def iter_body(_, carry):
        a0, a1 = carry
        rz0 = 1.0 / _lane_reduce(a0, jnp.add)
        rz1 = 1.0 / _lane_reduce(a1, jnp.add)

        def body(j, carry):
            a0, a1 = carry
            s = _sl(j)
            pj0 = p_ref[0, s] * rz0
            pj1 = p_ref[1, s] * rz1
            kh_ref[0, s] = kh_ref[0, s] + pj0
            kh_ref[1, s] = kh_ref[1, s] + pj1
            q0 = pj0 * jnp.maximum(1.0 - pj0, EPSILON)
            q1 = pj1 * jnp.maximum(1.0 - pj1, EPSILON)
            p_ref[0, s] = q0
            p_ref[1, s] = q1
            return a0 + q0, a1 + q1

        return plsc.parallel_loop(0, NVREG, unroll=UNROLL,
                                  carry=(zero, zero))(body)

    a0, a1 = lax.fori_loop(0, K - 2, iter_body, (a0, a1))

    rz0 = 1.0 / _lane_reduce(a0, jnp.add)
    rz1 = 1.0 / _lane_reduce(a1, jnp.add)

    def fin_body(j, carry):
        s = _sl(j)
        kh_ref[0, s] = kh_ref[0, s] + p_ref[0, s] * rz0
        kh_ref[1, s] = kh_ref[1, s] + p_ref[1, s] * rz1
        return carry

    plsc.parallel_loop(0, NVREG, unroll=UNROLL, carry=jnp.int32(0))(fin_body)


def _sc_call(scores, gumbel):
    mesh = plsc.VectorSubcoreMesh(core_axis_name="c", subcore_axis_name="s")

    @functools.partial(
        pl.kernel,
        mesh=mesh,
        out_type=jax.ShapeDtypeStruct((ROWS, COLS), jnp.float32),
        scratch_types=[
            pltpu.VMEM((ROWS_PER_W, COLS), jnp.float32),
            pltpu.VMEM((ROWS_PER_W, COLS), jnp.float32),
        ],
    )
    def k(scores_hbm, gum_hbm, out_hbm, p_v, kh_v):
        wid = lax.axis_index("s") * 2 + lax.axis_index("c")
        base = wid * ROWS_PER_W
        pltpu.sync_copy(scores_hbm.at[pl.ds(base, ROWS_PER_W)], p_v)
        pltpu.sync_copy(gum_hbm.at[pl.ds(base, ROWS_PER_W)], kh_v)
        _rows_body(p_v, kh_v)
        pltpu.sync_copy(kh_v, out_hbm.at[pl.ds(base, ROWS_PER_W)])

    return k(scores, gumbel)


def kernel(scores):
    gkey = jax.random.fold_in(jax.random.key(0), 1)
    g = jax.random.gumbel(gkey, scores.shape, dtype=scores.dtype)
    return _sc_call(scores, g)

# --- scband reference (transcript-rebuilt; emitter-appended) ---
"""Pipeline reference for scband-subset-operator-88880053223597 (READ-ONLY COPY).

The authoritative reference and input builder live on the scoring server;
editing this copy changes nothing except your own understanding.
"""

import jax, jax.numpy as jnp
import numpy as np

K = 16
TAU = 1.0
HARD = False
EPSILON = 1e-4


def setup_inputs(seed: int = 0) -> dict:
    key = jax.random.key(seed)
    scores = jax.random.normal(jax.random.fold_in(key, 0), (64, 4096), dtype=jnp.float32)
    return {"scores": scores}


def reference(scores):
    # Gumbel noise (stochastic in the original; here drawn from a fixed key)
    gkey = jax.random.fold_in(jax.random.key(0), 1)
    g = jax.random.gumbel(gkey, scores.shape, dtype=scores.dtype)
    s = scores + g
    # top-k indices (used only when hard=True, kept for fidelity)
    _, topk_indices = jax.lax.top_k(s, K)
    khot = jnp.zeros_like(s)
    onehot_approx = jnp.zeros_like(s)
    khot_list = []
    for i in range(K):
        khot_mask = jnp.maximum(1.0 - onehot_approx, EPSILON)
        s = s + jnp.log(khot_mask)
        onehot_approx = jax.nn.softmax(s / TAU, axis=1)
        khot = khot + onehot_approx
        khot_list.append(onehot_approx)
    if HARD:
        res = []
        for i in range(K):
            kh = khot_list[i]
            ind = topk_indices[:, i]
            khot_hard = jnp.zeros_like(kh).at[jnp.arange(kh.shape[0]), ind].set(1.0)
            res.append(khot_hard - jax.lax.stop_gradient(kh) + kh)
        return jnp.stack(res, 1)
    else:
        return khot

if __name__ == "__main__":
    import jax
    _d = setup_inputs()
    print(jax.jit(kernel)(*tuple(_d.values())))

</pallas_src>

<mosaic_0001>
#map = affine_map<(d0, d1) -> (0, 0)>
module attributes {stable_mosaic.version = 14 : i64} {
  func.func @k(%arg0: i32, %arg1: i32, %arg2: memref<64x4096xf32, #tpu.memory_space<hbm>>, %arg3: memref<64x4096xf32, #tpu.memory_space<hbm>>, %arg4: memref<64x4096xf32, #tpu.memory_space<hbm>>, %arg5: memref<2x4096xf32, #tpu.memory_space<vmem>>, %arg6: memref<2x4096xf32, #tpu.memory_space<vmem>>) attributes {dimension_semantics = [#tpu.dimension_semantics<core_parallel>, #tpu.dimension_semantics<subcore_parallel>], iteration_bounds = array<i64: 2, 16>, scalar_prefetch = 0 : i64, scratch_operands = 2 : i64, tpu.core_type = #tpu.core_type<sc_vector_subcore>, window_params = [{transform_indices = #map}, {transform_indices = #map}, {transform_indices = #map}]} {
    %mul3A = arith.constant 2 : i32
    %mul3A_0 = arith.muli %arg1, %mul3A : i32
    %add3A = arith.addi %mul3A_0, %arg0 : i32
    %mul3A_1 = arith.constant 2 : i32
    %mul3A_2 = arith.muli %add3A, %mul3A_1 : i32
    "tpu.region"() ({
      %run_scoped3A = tpu.sem_alloc : memref<!tpu.dma_semaphore, #tpu.memory_space<semaphore_mem>>
      %dma_start3A = arith.constant 0 : i32
      %dma_start3A_208 = tpu.memref_slice %arg2[%mul3A_2, %dma_start3A] : memref<64x4096xf32, #tpu.memory_space<hbm>> -> memref<2x4096xf32, #tpu.memory_space<hbm>>
      %dma_start3A_209 = arith.constant 0 : i32
      %dma_start3A_210 = tpu.memref_slice %arg2[%mul3A_2, %dma_start3A_209] : memref<64x4096xf32, #tpu.memory_space<hbm>> -> memref<2x4096xf32, #tpu.memory_space<hbm>>
      tpu.enqueue_dma source(%dma_start3A_210 : memref<2x4096xf32, #tpu.memory_space<hbm>>) target(%arg5 : memref<2x4096xf32, #tpu.memory_space<vmem>>) target_semaphore(%run_scoped3A : memref<!tpu.dma_semaphore, #tpu.memory_space<semaphore_mem>>)
      %dma_wait3A = arith.constant 0 : i32
      %dma_wait3A_211 = tpu.memref_slice %arg2[%mul3A_2, %dma_wait3A] : memref<64x4096xf32, #tpu.memory_space<hbm>> -> memref<2x4096xf32, #tpu.memory_space<hbm>>
      %dma_wait3A_212 = arith.constant 0 : i32
      %dma_wait3A_213 = tpu.memref_slice %arg2[%mul3A_2, %dma_wait3A_212] : memref<64x4096xf32, #tpu.memory_space<hbm>> -> memref<2x4096xf32, #tpu.memory_space<hbm>>
      tpu.wait_dma2 semaphore(%run_scoped3A : memref<!tpu.dma_semaphore, #tpu.memory_space<semaphore_mem>>) src(%dma_wait3A_213 : memref<2x4096xf32, #tpu.memory_space<hbm>>) dst(%arg5 : memref<2x4096xf32, #tpu.memory_space<vmem>>)
      tpu.yield
    }) : () -> ()
    "tpu.region"() ({
      %run_scoped3A = tpu.sem_alloc : memref<!tpu.dma_semaphore, #tpu.memory_space<semaphore_mem>>
      %dma_start3A = arith.constant 0 : i32
      %dma_start3A_208 = tpu.memref_slice %arg3[%mul3A_2, %dma_start3A] : memref<64x4096xf32, #tpu.memory_space<hbm>> -> memref<2x4096xf32, #tpu.memory_space<hbm>>
      %dma_start3A_209 = arith.constant 0 : i32
      %dma_start3A_210 = tpu.memref_slice %arg3[%mul3A_2, %dma_start3A_209] : memref<64x4096xf32, #tpu.memory_space<hbm>> -> memref<2x4096xf32, #tpu.memory_space<hbm>>
      tpu.enqueue_dma source(%dma_start3A_210 : memref<2x4096xf32, #tpu.memory_space<hbm>>) target(%arg6 : memref<2x4096xf32, #tpu.memory_space<vmem>>) target_semaphore(%run_scoped3A : memref<!tpu.dma_semaphore, #tpu.memory_space<semaphore_mem>>)
      %dma_wait3A = arith.constant 0 : i32
      %dma_wait3A_211 = tpu.memref_slice %arg3[%mul3A_2, %dma_wait3A] : memref<64x4096xf32, #tpu.memory_space<hbm>> -> memref<2x4096xf32, #tpu.memory_space<hbm>>
      %dma_wait3A_212 = arith.constant 0 : i32
      %dma_wait3A_213 = tpu.memref_slice %arg3[%mul3A_2, %dma_wait3A_212] : memref<64x4096xf32, #tpu.memory_space<hbm>> -> memref<2x4096xf32, #tpu.memory_space<hbm>>
      tpu.wait_dma2 semaphore(%run_scoped3A : memref<!tpu.dma_semaphore, #tpu.memory_space<semaphore_mem>>) src(%dma_wait3A_213 : memref<2x4096xf32, #tpu.memory_space<hbm>>) dst(%arg6 : memref<2x4096xf32, #tpu.memory_space<vmem>>)
      tpu.yield
    }) : () -> ()
    %broadcast_in_dim3A = arith.constant 0xFF800000 : f32
    %broadcast_in_dim3A_3 = vector.broadcast %broadcast_in_dim3A : f32 to vector<16xf32>
    %broadcast_in_dim3A_4 = arith.constant 0.000000e+00 : f32
    %broadcast_in_dim3A_5 = vector.broadcast %broadcast_in_dim3A_4 : f32 to vector<16xf32>
    %parallel_loop3A = arith.constant 0 : i32
    %parallel_loop3A_6 = arith.constant 256 : i32
    %parallel_loop3A_7 = arith.constant 1 : i32
    %parallel_loop3A_8:2 = scf.for %parallel_loop3A_208 = %parallel_loop3A to %parallel_loop3A_6 step %parallel_loop3A_7 iter_args(%parallel_loop3A_209 = %broadcast_in_dim3A_3, %parallel_loop3A_210 = %broadcast_in_dim3A_3) -> (vector<16xf32>, vector<16xf32>)  : i32 {
      %parallel_loop3A_211 = arith.constant 16 : i32
      %parallel_loop3A_212 = arith.muli %parallel_loop3A_208, %parallel_loop3A_211 : i32
      %parallel_loop3A_213 = arith.constant 0 : i32
      %parallel_loop3A_214 = arith.index_cast %parallel_loop3A_213 : i32 to index
      %parallel_loop3A_215 = arith.index_cast %parallel_loop3A_212 : i32 to index
      %parallel_loop3A_216 = tpu.vector_load %arg5[%parallel_loop3A_214, %parallel_loop3A_215] {strides = array<i32>} : memref<2x4096xf32, #tpu.memory_space<vmem>>, vector<1x16xf32>,
      %parallel_loop3A_217 = vector.shape_cast %parallel_loop3A_216 : vector<1x16xf32> to vector<16xf32>
      %parallel_loop3A_218 = arith.constant 0 : i32
      %parallel_loop3A_219 = arith.index_cast %parallel_loop3A_218 : i32 to index
      %parallel_loop3A_220 = arith.index_cast %parallel_loop3A_212 : i32 to index
      %parallel_loop3A_221 = tpu.vector_load %arg6[%parallel_loop3A_219, %parallel_loop3A_220] {strides = array<i32>} : memref<2x4096xf32, #tpu.memory_space<vmem>>, vector<1x16xf32>,
      %parallel_loop3A_222 = vector.shape_cast %parallel_loop3A_221 : vector<1x16xf32> to vector<16xf32>
      %parallel_loop3A_223 = arith.addf %parallel_loop3A_217, %parallel_loop3A_222 : vector<16xf32>
      %parallel_loop3A_224 = arith.constant 1 : i32
      %parallel_loop3A_225 = arith.index_cast %parallel_loop3A_224 : i32 to index
      %parallel_loop3A_226 = arith.index_cast %parallel_loop3A_212 : i32 to index
      %parallel_loop3A_227 = tpu.vector_load %arg5[%parallel_loop3A_225, %parallel_loop3A_226] {strides = array<i32>} : memref<2x4096xf32, #tpu.memory_space<vmem>>, vector<1x16xf32>,
      %parallel_loop3A_228 = vector.shape_cast %parallel_loop3A_227 : vector<1x16xf32> to vector<16xf32>
      %parallel_loop3A_229 = arith.constant 1 : i32
      %parallel_loop3A_230 = arith.index_cast %parallel_loop3A_229 : i32 to index
      %parallel_loop3A_231 = arith.index_cast %parallel_loop3A_212 : i32 to index
      %parallel_loop3A_232 = tpu.vector_load %arg6[%parallel_loop3A_230, %parallel_loop3A_231] {strides = array<i32>} : memref<2x4096xf32, #tpu.memory_space<vmem>>, vector<1x16xf32>,
      %parallel_loop3A_233 = vector.shape_cast %parallel_loop3A_232 : vector<1x16xf32> to vector<16xf32>
      %parallel_loop3A_234 = arith.addf %parallel_loop3A_228, %parallel_loop3A_233 : vector<16xf32>
      %parallel_loop3A_235 = arith.constant 0 : i32
      %parallel_loop3A_236 = arith.index_cast %parallel_loop3A_235 : i32 to index
      %parallel_loop3A_237 = arith.index_cast %parallel_loop3A_212 : i32 to index
      %parallel_loop3A_238 = tpu.vector_load %arg5[%parallel_loop3A_236, %parallel_loop3A_237] {strides = array<i32>} : memref<2x4096xf32, #tpu.memory_space<vmem>>, vector<1x16xf32>,
      %parallel_loop3A_239 = vector.shape_cast %parallel_loop3A_238 : vector<1x16xf32> to vector<16xf32>
      %parallel_loop3A_240 = vector.shape_cast %parallel_loop3A_223 : vector<16xf32> to vector<1x16xf32>
      tpu.vector_store %arg5[%parallel_loop3A_236, %parallel_loop3A_237], %parallel_loop3A_240 {strides = array<i32>} : memref<2x4096xf32, #tpu.memory_space<vmem>>, vector<1x16xf32>,
      %parallel_loop3A_241 = arith.constant 1 : i32
      %parallel_loop3A_242 = arith.index_cast %parallel_loop3A_241 : i32 to index
      %parallel_loop3A_243 = arith.index_cast %parallel_loop3A_212 : i32 to index
      %parallel_loop3A_244 = tpu.vector_load %arg5[%parallel_loop3A_242, %parallel_loop3A_243] {strides = array<i32>} : memref<2x4096xf32, #tpu.memory_space<vmem>>, vector<1x16xf32>,
      %parallel_loop3A_245 = vector.shape_cast %parallel_loop3A_244 : vector<1x16xf32> to vector<16xf32>
      %parallel_loop3A_246 = vector.shape_cast %parallel_loop3A_234 : vector<16xf32> to vector<1x16xf32>
      tpu.vector_store %arg5[%parallel_loop3A_242, %parallel_loop3A_243], %parallel_loop3A_246 {strides = array<i32>} : memref<2x4096xf32, #tpu.memory_space<vmem>>, vector<1x16xf32>,
      %parallel_loop3A_247 = arith.maximumf %parallel_loop3A_209, %parallel_loop3A_223 : vector<16xf32>
      %parallel_loop3A_248 = arith.maximumf %parallel_loop3A_210, %parallel_loop3A_234 : vector<16xf32>
      scf.yield %parallel_loop3A_247, %parallel_loop3A_248 : vector<16xf32>, vector<16xf32>
    } {sc.loop_unroll_factor = 8 : i64, sc.parallel_access}
    %iota3A = tpu.iota {dimensions = array<i32: 0>} : vector<16xi32>
    %xor3A = arith.constant 1 : i32
    %xor3A_9 = vector.broadcast %xor3A : i32 to vector<16xi32>
    %xor3A_10 = arith.xori %iota3A, %xor3A_9 : vector<16xi32>
    %broadcast_in_dim3A_11 = vector.shape_cast %xor3A_10 : vector<16xi32> to vector<16x1xi32>
    %gather3A = vector.shape_cast %broadcast_in_dim3A_11 : vector<16x1xi32> to vector<16xi32>
    %gather3A_12 = tpu.dynamic_gather %parallel_loop3A_8#0[%gather3A] in [0] : vector<16xf32>, vector<16xi32> -> vector<16xf32>
    %max3A = arith.maximumf %parallel_loop3A_8#0, %gather3A_12 : vector<16xf32>
    %xor3A_13 = arith.constant 2 : i32
    %xor3A_14 = vector.broadcast %xor3A_13 : i32 to vector<16xi32>
    %xor3A_15 = arith.xori %iota3A, %xor3A_14 : vector<16xi32>
    %broadcast_in_dim3A_16 = vector.shape_cast %xor3A_15 : vector<16xi32> to vector<16x1xi32>
    %gather3A_17 = vector.shape_cast %broadcast_in_dim3A_16 : vector<16x1xi32> to vector<16xi32>
    %gather3A_18 = tpu.dynamic_gather %max3A[%gather3A_17] in [0] : vector<16xf32>, vector<16xi32> -> vector<16xf32>
    %max3A_19 = arith.maximumf %max3A, %gather3A_18 : vector<16xf32>
    %xor3A_20 = arith.constant 4 : i32
    %xor3A_21 = vector.broadcast %xor3A_20 : i32 to vector<16xi32>
    %xor3A_22 = arith.xori %iota3A, %xor3A_21 : vector<16xi32>
    %broadcast_in_dim3A_23 = vector.shape_cast %xor3A_22 : vector<16xi32> to vector<16x1xi32>
    %gather3A_24 = vector.shape_cast %broadcast_in_dim3A_23 : vector<16x1xi32> to vector<16xi32>
    %gather3A_25 = tpu.dynamic_gather %max3A_19[%gather3A_24] in [0] : vector<16xf32>, vector<16xi32> -> vector<16xf32>
    %max3A_26 = arith.maximumf %max3A_19, %gather3A_25 : vector<16xf32>
    %xor3A_27 = arith.constant 8 : i32
    %xor3A_28 = vector.broadcast %xor3A_27 : i32 to vector<16xi32>
    %xor3A_29 = arith.xori %iota3A, %xor3A_28 : vector<16xi32>
    %broadcast_in_dim3A_30 = vector.shape_cast %xor3A_29 : vector<16xi32> to vector<16x1xi32>
    %gather3A_31 = vector.shape_cast %broadcast_in_dim3A_30 : vector<16x1xi32> to vector<16xi32>
    %gather3A_32 = tpu.dynamic_gather %max3A_26[%gather3A_31] in [0] : vector<16xf32>, vector<16xi32> -> vector<16xf32>
    %max3A_33 = arith.maximumf %max3A_26, %gather3A_32 : vector<16xf32>
    %iota3A_34 = tpu.iota {dimensions = array<i32: 0>} : vector<16xi32>
    %xor3A_35 = arith.constant 1 : i32
    %xor3A_36 = vector.broadcast %xor3A_35 : i32 to vector<16xi32>
    %xor3A_37 = arith.xori %iota3A_34, %xor3A_36 : vector<16xi32>
    %broadcast_in_dim3A_38 = vector.shape_cast %xor3A_37 : vector<16xi32> to vector<16x1xi32>
    %gather3A_39 = vector.shape_cast %broadcast_in_dim3A_38 : vector<16x1xi32> to vector<16xi32>
    %gather3A_40 = tpu.dynamic_gather %parallel_loop3A_8#1[%gather3A_39] in [0] : vector<16xf32>, vector<16xi32> -> vector<16xf32>
    %max3A_41 = arith.maximumf %parallel_loop3A_8#1, %gather3A_40 : vector<16xf32>
    %xor3A_42 = arith.constant 2 : i32
    %xor3A_43 = vector.broadcast %xor3A_42 : i32 to vector<16xi32>
    %xor3A_44 = arith.xori %iota3A_34, %xor3A_43 : vector<16xi32>
    %broadcast_in_dim3A_45 = vector.shape_cast %xor3A_44 : vector<16xi32> to vector<16x1xi32>
    %gather3A_46 = vector.shape_cast %broadcast_in_dim3A_45 : vector<16x1xi32> to vector<16xi32>
    %gather3A_47 = tpu.dynamic_gather %max3A_41[%gather3A_46] in [0] : vector<16xf32>, vector<16xi32> -> vector<16xf32>
    %max3A_48 = arith.maximumf %max3A_41, %gather3A_47 : vector<16xf32>
    %xor3A_49 = arith.constant 4 : i32
    %xor3A_50 = vector.broadcast %xor3A_49 : i32 to vector<16xi32>
    %xor3A_51 = arith.xori %iota3A_34, %xor3A_50 : vector<16xi32>
    %broadcast_in_dim3A_52 = vector.shape_cast %xor3A_51 : vector<16xi32> to vector<16x1xi32>
    %gather3A_53 = vector.shape_cast %broadcast_in_dim3A_52 : vector<16x1xi32> to vector<16xi32>
    %gather3A_54 = tpu.dynamic_gather %max3A_48[%gather3A_53] in [0] : vector<16xf32>, vector<16xi32> -> vector<16xf32>
    %max3A_55 = arith.maximumf %max3A_48, %gather3A_54 : vector<16xf32>
    %xor3A_56 = arith.constant 8 : i32
    %xor3A_57 = vector.broadcast %xor3A_56 : i32 to vector<16xi32>
    %xor3A_58 = arith.xori %iota3A_34, %xor3A_57 : vector<16xi32>
    %broadcast_in_dim3A_59 = vector.shape_cast %xor3A_58 : vector<16xi32> to vector<16x1xi32>
    %gather3A_60 = vector.shape_cast %broadcast_in_dim3A_59 : vector<16x1xi32> to vector<16xi32>
    %gather3A_61 = tpu.dynamic_gather %max3A_55[%gather3A_60] in [0] : vector<16xf32>, vector<16xi32> -> vector<16xf32>
    %max3A_62 = arith.maximumf %max3A_55, %gather3A_61 : vector<16xf32>
    %parallel_loop3A_63 = arith.constant 0 : i32
    %parallel_loop3A_64 = arith.constant 256 : i32
    %parallel_loop3A_65 = arith.constant 1 : i32
    %parallel_loop3A_66:2 = scf.for %parallel_loop3A_208 = %parallel_loop3A_63 to %parallel_loop3A_64 step %parallel_loop3A_65 iter_args(%parallel_loop3A_209 = %broadcast_in_dim3A_5, %parallel_loop3A_210 = %broadcast_in_dim3A_5) -> (vector<16xf32>, vector<16xf32>)  : i32 {
      %parallel_loop3A_211 = arith.constant 16 : i32
      %parallel_loop3A_212 = arith.muli %parallel_loop3A_208, %parallel_loop3A_211 : i32
      %parallel_loop3A_213 = arith.constant 0 : i32
      %parallel_loop3A_214 = arith.index_cast %parallel_loop3A_213 : i32 to index
      %parallel_loop3A_215 = arith.index_cast %parallel_loop3A_212 : i32 to index
      %parallel_loop3A_216 = tpu.vector_load %arg5[%parallel_loop3A_214, %parallel_loop3A_215] {strides = array<i32>} : memref<2x4096xf32, #tpu.memory_space<vmem>>, vector<1x16xf32>,
      %parallel_loop3A_217 = vector.shape_cast %parallel_loop3A_216 : vector<1x16xf32> to vector<16xf32>
      %parallel_loop3A_218 = arith.subf %parallel_loop3A_217, %max3A_33 : vector<16xf32>
      %parallel_loop3A_219 = math.exp %parallel_loop3A_218 : vector<16xf32>
      %parallel_loop3A_220 = arith.constant 1 : i32
      %parallel_loop3A_221 = arith.index_cast %parallel_loop3A_220 : i32 to index
      %parallel_loop3A_222 = arith.index_cast %parallel_loop3A_212 : i32 to index
      %parallel_loop3A_223 = tpu.vector_load %arg5[%parallel_loop3A_221, %parallel_loop3A_222] {strides = array<i32>} : memref<2x4096xf32, #tpu.memory_space<vmem>>, vector<1x16xf32>,
      %parallel_loop3A_224 = vector.shape_cast %parallel_loop3A_223 : vector<1x16xf32> to vector<16xf32>
      %parallel_loop3A_225 = arith.subf %parallel_loop3A_224, %max3A_62 : vector<16xf32>
      %parallel_loop3A_226 = math.exp %parallel_loop3A_225 : vector<16xf32>
      %parallel_loop3A_227 = arith.constant 0 : i32
      %parallel_loop3A_228 = arith.index_cast %parallel_loop3A_227 : i32 to index
      %parallel_loop3A_229 = arith.index_cast %parallel_loop3A_212 : i32 to index
      %parallel_loop3A_230 = tpu.vector_load %arg5[%parallel_loop3A_228, %parallel_loop3A_229] {strides = array<i32>} : memref<2x4096xf32, #tpu.memory_space<vmem>>, vector<1x16xf32>,
      %parallel_loop3A_231 = vector.shape_cast %parallel_loop3A_230 : vector<1x16xf32> to vector<16xf32>
      %parallel_loop3A_232 = vector.shape_cast %parallel_loop3A_219 : vector<16xf32> to vector<1x16xf32>
      tpu.vector_store %arg5[%parallel_loop3A_228, %parallel_loop3A_229], %parallel_loop3A_232 {strides = array<i32>} : memref<2x4096xf32, #tpu.memory_space<vmem>>, vector<1x16xf32>,
      %parallel_loop3A_233 = arith.constant 1 : i32
      %parallel_loop3A_234 = arith.index_cast %parallel_loop3A_233 : i32 to index
      %parallel_loop3A_235 = arith.index_cast %parallel_loop3A_212 : i32 to index
      %parallel_loop3A_236 = tpu.vector_load %arg5[%parallel_loop3A_234, %parallel_loop3A_235] {strides = array<i32>} : memref<2x4096xf32, #tpu.memory_space<vmem>>, vector<1x16xf32>,
      %parallel_loop3A_237 = vector.shape_cast %parallel_loop3A_236 : vector<1x16xf32> to vector<16xf32>
      %parallel_loop3A_238 = vector.shape_cast %parallel_loop3A_226 : vector<16xf32> to vector<1x16xf32>
      tpu.vector_store %arg5[%parallel_loop3A_234, %parallel_loop3A_235], %parallel_loop3A_238 {strides = array<i32>} : memref<2x4096xf32, #tpu.memory_space<vmem>>, vector<1x16xf32>,
      %parallel_loop3A_239 = arith.addf %parallel_loop3A_209, %parallel_loop3A_219 : vector<16xf32>
      %parallel_loop3A_240 = arith.addf %parallel_loop3A_210, %parallel_loop3A_226 : vector<16xf32>
      scf.yield %parallel_loop3A_239, %parallel_loop3A_240 : vector<16xf32>, vector<16xf32>
    } {sc.loop_unroll_factor = 8 : i64, sc.parallel_access}
    %iota3A_67 = tpu.iota {dimensions = array<i32: 0>} : vector<16xi32>
    %xor3A_68 = arith.constant 1 : i32
    %xor3A_69 = vector.broadcast %xor3A_68 : i32 to vector<16xi32>
    %xor3A_70 = arith.xori %iota3A_67, %xor3A_69 : vector<16xi32>
    %broadcast_in_dim3A_71 = vector.shape_cast %xor3A_70 : vector<16xi32> to vector<16x1xi32>
    %gather3A_72 = vector.shape_cast %broadcast_in_dim3A_71 : vector<16x1xi32> to vector<16xi32>
    %gather3A_73 = tpu.dynamic_gather %parallel_loop3A_66#0[%gather3A_72] in [0] : vector<16xf32>, vector<16xi32> -> vector<16xf32>
    %add3A_74 = arith.addf %parallel_loop3A_66#0, %gather3A_73 : vector<16xf32>
    %xor3A_75 = arith.constant 2 : i32
    %xor3A_76 = vector.broadcast %xor3A_75 : i32 to vector<16xi32>
    %xor3A_77 = arith.xori %iota3A_67, %xor3A_76 : vector<16xi32>
    %broadcast_in_dim3A_78 = vector.shape_cast %xor3A_77 : vector<16xi32> to vector<16x1xi32>
    %gather3A_79 = vector.shape_cast %broadcast_in_dim3A_78 : vector<16x1xi32> to vector<16xi32>
    %gather3A_80 = tpu.dynamic_gather %add3A_74[%gather3A_79] in [0] : vector<16xf32>, vector<16xi32> -> vector<16xf32>
    %add3A_81 = arith.addf %add3A_74, %gather3A_80 : vector<16xf32>
    %xor3A_82 = arith.constant 4 : i32
    %xor3A_83 = vector.broadcast %xor3A_82 : i32 to vector<16xi32>
    %xor3A_84 = arith.xori %iota3A_67, %xor3A_83 : vector<16xi32>
    %broadcast_in_dim3A_85 = vector.shape_cast %xor3A_84 : vector<16xi32> to vector<16x1xi32>
    %gather3A_86 = vector.shape_cast %broadcast_in_dim3A_85 : vector<16x1xi32> to vector<16xi32>
    %gather3A_87 = tpu.dynamic_gather %add3A_81[%gather3A_86] in [0] : vector<16xf32>, vector<16xi32> -> vector<16xf32>
    %add3A_88 = arith.addf %add3A_81, %gather3A_87 : vector<16xf32>
    %xor3A_89 = arith.constant 8 : i32
    %xor3A_90 = vector.broadcast %xor3A_89 : i32 to vector<16xi32>
    %xor3A_91 = arith.xori %iota3A_67, %xor3A_90 : vector<16xi32>
    %broadcast_in_dim3A_92 = vector.shape_cast %xor3A_91 : vector<16xi32> to vector<16x1xi32>
    %gather3A_93 = vector.shape_cast %broadcast_in_dim3A_92 : vector<16x1xi32> to vector<16xi32>
    %gather3A_94 = tpu.dynamic_gather %add3A_88[%gather3A_93] in [0] : vector<16xf32>, vector<16xi32> -> vector<16xf32>
    %add3A_95 = arith.addf %add3A_88, %gather3A_94 : vector<16xf32>
    %div3A = arith.constant 1.000000e+00 : f32
    %div3A_96 = vector.broadcast %div3A : f32 to vector<16xf32>
    %div3A_97 = arith.divf %div3A_96, %add3A_95 : vector<16xf32>
    %iota3A_98 = tpu.iota {dimensions = array<i32: 0>} : vector<16xi32>
    %xor3A_99 = arith.constant 1 : i32
    %xor3A_100 = vector.broadcast %xor3A_99 : i32 to vector<16xi32>
    %xor3A_101 = arith.xori %iota3A_98, %xor3A_100 : vector<16xi32>
    %broadcast_in_dim3A_102 = vector.shape_cast %xor3A_101 : vector<16xi32> to vector<16x1xi32>
    %gather3A_103 = vector.shape_cast %broadcast_in_dim3A_102 : vector<16x1xi32> to vector<16xi32>
    %gather3A_104 = tpu.dynamic_gather %parallel_loop3A_66#1[%gather3A_103] in [0] : vector<16xf32>, vector<16xi32> -> vector<16xf32>
    %add3A_105 = arith.addf %parallel_loop3A_66#1, %gather3A_104 : vector<16xf32>
    %xor3A_106 = arith.constant 2 : i32
    %xor3A_107 = vector.broadcast %xor3A_106 : i32 to vector<16xi32>
    %xor3A_108 = arith.xori %iota3A_98, %xor3A_107 : vector<16xi32>
    %broadcast_in_dim3A_109 = vector.shape_cast %xor3A_108 : vector<16xi32> to vector<16x1xi32>
    %gather3A_110 = vector.shape_cast %broadcast_in_dim3A_109 : vector<16x1xi32> to vector<16xi32>
    %gather3A_111 = tpu.dynamic_gather %add3A_105[%gather3A_110] in [0] : vector<16xf32>, vector<16xi32> -> vector<16xf32>
    %add3A_112 = arith.addf %add3A_105, %gather3A_111 : vector<16xf32>
    %xor3A_113 = arith.constant 4 : i32
    %xor3A_114 = vector.broadcast %xor3A_113 : i32 to vector<16xi32>
    %xor3A_115 = arith.xori %iota3A_98, %xor3A_114 : vector<16xi32>
    %broadcast_in_dim3A_116 = vector.shape_cast %xor3A_115 : vector<16xi32> to vector<16x1xi32>
    %gather3A_117 = vector.shape_cast %broadcast_in_dim3A_116 : vector<16x1xi32> to vector<16xi32>
    %gather3A_118 = tpu.dynamic_gather %add3A_112[%gather3A_117] in [0] : vector<16xf32>, vector<16xi32> -> vector<16xf32>
    %add3A_119 = arith.addf %add3A_112, %gather3A_118 : vector<16xf32>
    %xor3A_120 = arith.constant 8 : i32
    %xor3A_121 = vector.broadcast %xor3A_120 : i32 to vector<16xi32>
    %xor3A_122 = arith.xori %iota3A_98, %xor3A_121 : vector<16xi32>
    %broadcast_in_dim3A_123 = vector.shape_cast %xor3A_122 : vector<16xi32> to vector<16x1xi32>
    %gather3A_124 = vector.shape_cast %broadcast_in_dim3A_123 : vector<16x1xi32> to vector<16xi32>
    %gather3A_125 = tpu.dynamic_gather %add3A_119[%gather3A_124] in [0] : vector<16xf32>, vector<16xi32> -> vector<16xf32>
    %add3A_126 = arith.addf %add3A_119, %gather3A_125 : vector<16xf32>
    %div3A_127 = arith.constant 1.000000e+00 : f32
    %div3A_128 = vector.broadcast %div3A_127 : f32 to vector<16xf32>
    %div3A_129 = arith.divf %div3A_128, %add3A_126 : vector<16xf32>
    %parallel_loop3A_130 = arith.constant 0 : i32
    %parallel_loop3A_131 = arith.constant 256 : i32
    %parallel_loop3A_132 = arith.constant 1 : i32
    %parallel_loop3A_133:2 = scf.for %parallel_loop3A_208 = %parallel_loop3A_130 to %parallel_loop3A_131 step %parallel_loop3A_132 iter_args(%parallel_loop3A_209 = %broadcast_in_dim3A_5, %parallel_loop3A_210 = %broadcast_in_dim3A_5) -> (vector<16xf32>, vector<16xf32>)  : i32 {
      %parallel_loop3A_211 = arith.constant 16 : i32
      %parallel_loop3A_212 = arith.muli %parallel_loop3A_208, %parallel_loop3A_211 : i32
      %parallel_loop3A_213 = arith.constant 0 : i32
      %parallel_loop3A_214 = arith.index_cast %parallel_loop3A_213 : i32 to index
      %parallel_loop3A_215 = arith.index_cast %parallel_loop3A_212 : i32 to index
      %parallel_loop3A_216 = tpu.vector_load %arg5[%parallel_loop3A_214, %parallel_loop3A_215] {strides = array<i32>} : memref<2x4096xf32, #tpu.memory_space<vmem>>, vector<1x16xf32>,
      %parallel_loop3A_217 = vector.shape_cast %parallel_loop3A_216 : vector<1x16xf32> to vector<16xf32>
      %parallel_loop3A_218 = arith.mulf %parallel_loop3A_217, %div3A_97 : vector<16xf32>
      %parallel_loop3A_219 = arith.constant 1 : i32
      %parallel_loop3A_220 = arith.index_cast %parallel_loop3A_219 : i32 to index
      %parallel_loop3A_221 = arith.index_cast %parallel_loop3A_212 : i32 to index
      %parallel_loop3A_222 = tpu.vector_load %arg5[%parallel_loop3A_220, %parallel_loop3A_221] {strides = array<i32>} : memref<2x4096xf32, #tpu.memory_space<vmem>>, vector<1x16xf32>,
      %parallel_loop3A_223 = vector.shape_cast %parallel_loop3A_222 : vector<1x16xf32> to vector<16xf32>
      %parallel_loop3A_224 = arith.mulf %parallel_loop3A_223, %div3A_129 : vector<16xf32>
      %parallel_loop3A_225 = arith.constant 0 : i32
      %parallel_loop3A_226 = arith.index_cast %parallel_loop3A_225 : i32 to index
      %parallel_loop3A_227 = arith.index_cast %parallel_loop3A_212 : i32 to index
      %parallel_loop3A_228 = tpu.vector_load %arg6[%parallel_loop3A_226, %parallel_loop3A_227] {strides = array<i32>} : memref<2x4096xf32, #tpu.memory_space<vmem>>, vector<1x16xf32>,
      %parallel_loop3A_229 = vector.shape_cast %parallel_loop3A_228 : vector<1x16xf32> to vector<16xf32>
      %parallel_loop3A_230 = vector.shape_cast %parallel_loop3A_218 : vector<16xf32> to vector<1x16xf32>
      tpu.vector_store %arg6[%parallel_loop3A_226, %parallel_loop3A_227], %parallel_loop3A_230 {strides = array<i32>} : memref<2x4096xf32, #tpu.memory_space<vmem>>, vector<1x16xf32>,
      %parallel_loop3A_231 = arith.constant 1 : i32
      %parallel_loop3A_232 = arith.index_cast %parallel_loop3A_231 : i32 to index
      %parallel_loop3A_233 = arith.index_cast %parallel_loop3A_212 : i32 to index
      %parallel_loop3A_234 = tpu.vector_load %arg6[%parallel_loop3A_232, %parallel_loop3A_233] {strides = array<i32>} : memref<2x4096xf32, #tpu.memory_space<vmem>>, vector<1x16xf32>,
      %parallel_loop3A_235 = vector.shape_cast %parallel_loop3A_234 : vector<1x16xf32> to vector<16xf32>
      %parallel_loop3A_236 = vector.shape_cast %parallel_loop3A_224 : vector<16xf32> to vector<1x16xf32>
      tpu.vector_store %arg6[%parallel_loop3A_232, %parallel_loop3A_233], %parallel_loop3A_236 {strides = array<i32>} : memref<2x4096xf32, #tpu.memory_space<vmem>>, vector<1x16xf32>,
      %parallel_loop3A_237 = arith.constant 1.000000e+00 : f32
      %parallel_loop3A_238 = vector.broadcast %parallel_loop3A_237 : f32 to vector<16xf32>
      %parallel_loop3A_239 = arith.subf %parallel_loop3A_238, %parallel_loop3A_218 : vector<16xf32>
      %parallel_loop3A_240 = arith.constant 9.99999974E-5 : f32
      %parallel_loop3A_241 = vector.broadcast %parallel_loop3A_240 : f32 to vector<16xf32>
      %parallel_loop3A_242 = arith.maximumf %parallel_loop3A_239, %parallel_loop3A_241 : vector<16xf32>
      %parallel_loop3A_243 = arith.mulf %parallel_loop3A_218, %parallel_loop3A_242 : vector<16xf32>
      %parallel_loop3A_244 = arith.constant 1.000000e+00 : f32
      %parallel_loop3A_245 = vector.broadcast %parallel_loop3A_244 : f32 to vector<16xf32>
      %parallel_loop3A_246 = arith.subf %parallel_loop3A_245, %parallel_loop3A_224 : vector<16xf32>
      %parallel_loop3A_247 = arith.constant 9.99999974E-5 : f32
      %parallel_loop3A_248 = vector.broadcast %parallel_loop3A_247 : f32 to vector<16xf32>
      %parallel_loop3A_249 = arith.maximumf %parallel_loop3A_246, %parallel_loop3A_248 : vector<16xf32>
      %parallel_loop3A_250 = arith.mulf %parallel_loop3A_224, %parallel_loop3A_249 : vector<16xf32>
      %parallel_loop3A_251 = arith.constant 0 : i32
      %parallel_loop3A_252 = arith.index_cast %parallel_loop3A_251 : i32 to index
      %parallel_loop3A_253 = arith.index_cast %parallel_loop3A_212 : i32 to index
      %parallel_loop3A_254 = tpu.vector_load %arg5[%parallel_loop3A_252, %parallel_loop3A_253] {strides = array<i32>} : memref<2x4096xf32, #tpu.memory_space<vmem>>, vector<1x16xf32>,
      %parallel_loop3A_255 = vector.shape_cast %parallel_loop3A_254 : vector<1x16xf32> to vector<16xf32>
      %parallel_loop3A_256 = vector.shape_cast %parallel_loop3A_243 : vector<16xf32> to vector<1x16xf32>
      tpu.vector_store %arg5[%parallel_loop3A_252, %parallel_loop3A_253], %parallel_loop3A_256 {strides = array<i32>} : memref<2x4096xf32, #tpu.memory_space<vmem>>, vector<1x16xf32>,
      %parallel_loop3A_257 = arith.constant 1 : i32
      %parallel_loop3A_258 = arith.index_cast %parallel_loop3A_257 : i32 to index
      %parallel_loop3A_259 = arith.index_cast %parallel_loop3A_212 : i32 to index
      %parallel_loop3A_260 = tpu.vector_load %arg5[%parallel_loop3A_258, %parallel_loop3A_259] {strides = array<i32>} : memref<2x4096xf32, #tpu.memory_space<vmem>>, vector<1x16xf32>,
      %parallel_loop3A_261 = vector.shape_cast %parallel_loop3A_260 : vector<1x16xf32> to vector<16xf32>
      %parallel_loop3A_262 = vector.shape_cast %parallel_loop3A_250 : vector<16xf32> to vector<1x16xf32>
      tpu.vector_store %arg5[%parallel_loop3A_258, %parallel_loop3A_259], %parallel_loop3A_262 {strides = array<i32>} : memref<2x4096xf32, #tpu.memory_space<vmem>>, vector<1x16xf32>,
      %parallel_loop3A_263 = arith.addf %parallel_loop3A_209, %parallel_loop3A_243 : vector<16xf32>
      %parallel_loop3A_264 = arith.addf %parallel_loop3A_210, %parallel_loop3A_250 : vector<16xf32>
      scf.yield %parallel_loop3A_263, %parallel_loop3A_264 : vector<16xf32>, vector<16xf32>
    } {sc.loop_unroll_factor = 8 : i64, sc.parallel_access}
    %scan3A = arith.constant 0 : i32
    %scan3A_134 = arith.constant 14 : i32
    %scan3A_135 = arith.addi %scan3A, %scan3A_134 : i32
    %scan3A_136 = arith.constant 1 : i32
    %scan3A_137:2 = scf.for %scan3A_208 = %scan3A to %scan3A_135 step %scan3A_136 iter_args(%scan3A_209 = %parallel_loop3A_133#0, %scan3A_210 = %parallel_loop3A_133#1) -> (vector<16xf32>, vector<16xf32>)  : i32 {
      %iota3A_211 = tpu.iota {dimensions = array<i32: 0>} : vector<16xi32>
      %xor3A_212 = arith.constant 1 : i32
      %xor3A_213 = vector.broadcast %xor3A_212 : i32 to vector<16xi32>
      %xor3A_214 = arith.xori %iota3A_211, %xor3A_213 : vector<16xi32>
      %broadcast_in_dim3A_215 = vector.shape_cast %xor3A_214 : vector<16xi32> to vector<16x1xi32>
      %gather3A_216 = vector.shape_cast %broadcast_in_dim3A_215 : vector<16x1xi32> to vector<16xi32>
      %gather3A_217 = tpu.dynamic_gather %scan3A_209[%gather3A_216] in [0] : vector<16xf32>, vector<16xi32> -> vector<16xf32>
      %add3A_218 = arith.addf %scan3A_209, %gather3A_217 : vector<16xf32>
      %xor3A_219 = arith.constant 2 : i32
      %xor3A_220 = vector.broadcast %xor3A_219 : i32 to vector<16xi32>
      %xor3A_221 = arith.xori %iota3A_211, %xor3A_220 : vector<16xi32>
      %broadcast_in_dim3A_222 = vector.shape_cast %xor3A_221 : vector<16xi32> to vector<16x1xi32>
      %gather3A_223 = vector.shape_cast %broadcast_in_dim3A_222 : vector<16x1xi32> to vector<16xi32>
      %gather3A_224 = tpu.dynamic_gather %add3A_218[%gather3A_223] in [0] : vector<16xf32>, vector<16xi32> -> vector<16xf32>
      %add3A_225 = arith.addf %add3A_218, %gather3A_224 : vector<16xf32>
      %xor3A_226 = arith.constant 4 : i32
      %xor3A_227 = vector.broadcast %xor3A_226 : i32 to vector<16xi32>
      %xor3A_228 = arith.xori %iota3A_211, %xor3A_227 : vector<16xi32>
      %broadcast_in_dim3A_229 = vector.shape_cast %xor3A_228 : vector<16xi32> to vector<16x1xi32>
      %gather3A_230 = vector.shape_cast %broadcast_in_dim3A_229 : vector<16x1xi32> to vector<16xi32>
      %gather3A_231 = tpu.dynamic_gather %add3A_225[%gather3A_230] in [0] : vector<16xf32>, vector<16xi32> -> vector<16xf32>
      %add3A_232 = arith.addf %add3A_225, %gather3A_231 : vector<16xf32>
      %xor3A_233 = arith.constant 8 : i32
      %xor3A_234 = vector.broadcast %xor3A_233 : i32 to vector<16xi32>
      %xor3A_235 = arith.xori %iota3A_211, %xor3A_234 : vector<16xi32>
      %broadcast_in_dim3A_236 = vector.shape_cast %xor3A_235 : vector<16xi32> to vector<16x1xi32>
      %gather3A_237 = vector.shape_cast %broadcast_in_dim3A_236 : vector<16x1xi32> to vector<16xi32>
      %gather3A_238 = tpu.dynamic_gather %add3A_232[%gather3A_237] in [0] : vector<16xf32>, vector<16xi32> -> vector<16xf32>
      %add3A_239 = arith.addf %add3A_232, %gather3A_238 : vector<16xf32>
      %div3A_240 = arith.constant 1.000000e+00 : f32
      %div3A_241 = vector.broadcast %div3A_240 : f32 to vector<16xf32>
      %div3A_242 = arith.divf %div3A_241, %add3A_239 : vector<16xf32>
      %iota3A_243 = tpu.iota {dimensions = array<i32: 0>} : vector<16xi32>
      %xor3A_244 = arith.constant 1 : i32
      %xor3A_245 = vector.broadcast %xor3A_244 : i32 to vector<16xi32>
      %xor3A_246 = arith.xori %iota3A_243, %xor3A_245 : vector<16xi32>
      %broadcast_in_dim3A_247 = vector.shape_cast %xor3A_246 : vector<16xi32> to vector<16x1xi32>
      %gather3A_248 = vector.shape_cast %broadcast_in_dim3A_247 : vector<16x1xi32> to vector<16xi32>
      %gather3A_249 = tpu.dynamic_gather %scan3A_210[%gather3A_248] in [0] : vector<16xf32>, vector<16xi32> -> vector<16xf32>
      %add3A_250 = arith.addf %scan3A_210, %gather3A_249 : vector<16xf32>
      %xor3A_251 = arith.constant 2 : i32
      %xor3A_252 = vector.broadcast %xor3A_251 : i32 to vector<16xi32>
      %xor3A_253 = arith.xori %iota3A_243, %xor3A_252 : vector<16xi32>
      %broadcast_in_dim3A_254 = vector.shape_cast %xor3A_253 : vector<16xi32> to vector<16x1xi32>
      %gather3A_255 = vector.shape_cast %broadcast_in_dim3A_254 : vector<16x1xi32> to vector<16xi32>
      %gather3A_256 = tpu.dynamic_gather %add3A_250[%gather3A_255] in [0] : vector<16xf32>, vector<16xi32> -> vector<16xf32>
      %add3A_257 = arith.addf %add3A_250, %gather3A_256 : vector<16xf32>
      %xor3A_258 = arith.constant 4 : i32
      %xor3A_259 = vector.broadcast %xor3A_258 : i32 to vector<16xi32>
      %xor3A_260 = arith.xori %iota3A_243, %xor3A_259 : vector<16xi32>
      %broadcast_in_dim3A_261 = vector.shape_cast %xor3A_260 : vector<16xi32> to vector<16x1xi32>
      %gather3A_262 = vector.shape_cast %broadcast_in_dim3A_261 : vector<16x1xi32> to vector<16xi32>
      %gather3A_263 = tpu.dynamic_gather %add3A_257[%gather3A_262] in [0] : vector<16xf32>, vector<16xi32> -> vector<16xf32>
      %add3A_264 = arith.addf %add3A_257, %gather3A_263 : vector<16xf32>
      %xor3A_265 = arith.constant 8 : i32
      %xor3A_266 = vector.broadcast %xor3A_265 : i32 to vector<16xi32>
      %xor3A_267 = arith.xori %iota3A_243, %xor3A_266 : vector<16xi32>
      %broadcast_in_dim3A_268 = vector.shape_cast %xor3A_267 : vector<16xi32> to vector<16x1xi32>
      %gather3A_269 = vector.shape_cast %broadcast_in_dim3A_268 : vector<16x1xi32> to vector<16xi32>
      %gather3A_270 = tpu.dynamic_gather %add3A_264[%gather3A_269] in [0] : vector<16xf32>, vector<16xi32> -> vector<16xf32>
      %add3A_271 = arith.addf %add3A_264, %gather3A_270 : vector<16xf32>
      %div3A_272 = arith.constant 1.000000e+00 : f32
      %div3A_273 = vector.broadcast %div3A_272 : f32 to vector<16xf32>
      %div3A_274 = arith.divf %div3A_273, %add3A_271 : vector<16xf32>
      %parallel_loop3A_275 = arith.constant 0 : i32
      %parallel_loop3A_276 = arith.constant 256 : i32
      %parallel_loop3A_277 = arith.constant 1 : i32
      %parallel_loop3A_278:2 = scf.for %parallel_loop3A_279 = %parallel_loop3A_275 to %parallel_loop3A_276 step %parallel_loop3A_277 iter_args(%parallel_loop3A_280 = %broadcast_in_dim3A_5, %parallel_loop3A_281 = %broadcast_in_dim3A_5) -> (vector<16xf32>, vector<16xf32>)  : i32 {
        %parallel_loop3A_282 = arith.constant 16 : i32
        %parallel_loop3A_283 = arith.muli %parallel_loop3A_279, %parallel_loop3A_282 : i32
        %parallel_loop3A_284 = arith.constant 0 : i32
        %parallel_loop3A_285 = arith.index_cast %parallel_loop3A_284 : i32 to index
        %parallel_loop3A_286 = arith.index_cast %parallel_loop3A_283 : i32 to index
        %parallel_loop3A_287 = tpu.vector_load %arg5[%parallel_loop3A_285, %parallel_loop3A_286] {strides = array<i32>} : memref<2x4096xf32, #tpu.memory_space<vmem>>, vector<1x16xf32>,
        %parallel_loop3A_288 = vector.shape_cast %parallel_loop3A_287 : vector<1x16xf32> to vector<16xf32>
        %parallel_loop3A_289 = arith.mulf %parallel_loop3A_288, %div3A_242 : vector<16xf32>
        %parallel_loop3A_290 = arith.constant 1 : i32
        %parallel_loop3A_291 = arith.index_cast %parallel_loop3A_290 : i32 to index
        %parallel_loop3A_292 = arith.index_cast %parallel_loop3A_283 : i32 to index
        %parallel_loop3A_293 = tpu.vector_load %arg5[%parallel_loop3A_291, %parallel_loop3A_292] {strides = array<i32>} : memref<2x4096xf32, #tpu.memory_space<vmem>>, vector<1x16xf32>,
        %parallel_loop3A_294 = vector.shape_cast %parallel_loop3A_293 : vector<1x16xf32> to vector<16xf32>
        %parallel_loop3A_295 = arith.mulf %parallel_loop3A_294, %div3A_274 : vector<16xf32>
        %parallel_loop3A_296 = arith.constant 0 : i32
        %parallel_loop3A_297 = arith.index_cast %parallel_loop3A_296 : i32 to index
        %parallel_loop3A_298 = arith.index_cast %parallel_loop3A_283 : i32 to index
        %parallel_loop3A_299 = tpu.vector_load %arg6[%parallel_loop3A_297, %parallel_loop3A_298] {strides = array<i32>} : memref<2x4096xf32, #tpu.memory_space<vmem>>, vector<1x16xf32>,
        %parallel_loop3A_300 = vector.shape_cast %parallel_loop3A_299 : vector<1x16xf32> to vector<16xf32>
        %parallel_loop3A_301 = arith.addf %parallel_loop3A_300, %parallel_loop3A_289 : vector<16xf32>
        %parallel_loop3A_302 = arith.constant 0 : i32
        %parallel_loop3A_303 = arith.index_cast %parallel_loop3A_302 : i32 to index
        %parallel_loop3A_304 = arith.index_cast %parallel_loop3A_283 : i32 to index
        %parallel_loop3A_305 = tpu.vector_load %arg6[%parallel_loop3A_303, %parallel_loop3A_304] {strides = array<i32>} : memref<2x4096xf32, #tpu.memory_space<vmem>>, vector<1x16xf32>,
        %parallel_loop3A_306 = vector.shape_cast %parallel_loop3A_305 : vector<1x16xf32> to vector<16xf32>
        %parallel_loop3A_307 = vector.shape_cast %parallel_loop3A_301 : vector<16xf32> to vector<1x16xf32>
        tpu.vector_store %arg6[%parallel_loop3A_303, %parallel_loop3A_304], %parallel_loop3A_307 {strides = array<i32>} : memref<2x4096xf32, #tpu.memory_space<vmem>>, vector<1x16xf32>,
        %parallel_loop3A_308 = arith.constant 1 : i32
        %parallel_loop3A_309 = arith.index_cast %parallel_loop3A_308 : i32 to index
        %parallel_loop3A_310 = arith.index_cast %parallel_loop3A_283 : i32 to index
        %parallel_loop3A_311 = tpu.vector_load %arg6[%parallel_loop3A_309, %parallel_loop3A_310] {strides = array<i32>} : memref<2x4096xf32, #tpu.memory_space<vmem>>, vector<1x16xf32>,
        %parallel_loop3A_312 = vector.shape_cast %parallel_loop3A_311 : vector<1x16xf32> to vector<16xf32>
        %parallel_loop3A_313 = arith.addf %parallel_loop3A_312, %parallel_loop3A_295 : vector<16xf32>
        %parallel_loop3A_314 = arith.constant 1 : i32
        %parallel_loop3A_315 = arith.index_cast %parallel_loop3A_314 : i32 to index
        %parallel_loop3A_316 = arith.index_cast %parallel_loop3A_283 : i32 to index
        %parallel_loop3A_317 = tpu.vector_load %arg6[%parallel_loop3A_315, %parallel_loop3A_316] {strides = array<i32>} : memref<2x4096xf32, #tpu.memory_space<vmem>>, vector<1x16xf32>,
        %parallel_loop3A_318 = vector.shape_cast %parallel_loop3A_317 : vector<1x16xf32> to vector<16xf32>
        %parallel_loop3A_319 = vector.shape_cast %parallel_loop3A_313 : vector<16xf32> to vector<1x16xf32>
        tpu.vector_store %arg6[%parallel_loop3A_315, %parallel_loop3A_316], %parallel_loop3A_319 {strides = array<i32>} : memref<2x4096xf32, #tpu.memory_space<vmem>>, vector<1x16xf32>,
        %parallel_loop3A_320 = arith.constant 1.000000e+00 : f32
        %parallel_loop3A_321 = vector.broadcast %parallel_loop3A_320 : f32 to vector<16xf32>
        %parallel_loop3A_322 = arith.subf %parallel_loop3A_321, %parallel_loop3A_289 : vector<16xf32>
        %parallel_loop3A_323 = arith.constant 9.99999974E-5 : f32
        %parallel_loop3A_324 = vector.broadcast %parallel_loop3A_323 : f32 to vector<16xf32>
        %parallel_loop3A_325 = arith.maximumf %parallel_loop3A_322, %parallel_loop3A_324 : vector<16xf32>
        %parallel_loop3A_326 = arith.mulf %parallel_loop3A_289, %parallel_loop3A_325 : vector<16xf32>
        %parallel_loop3A_327 = arith.constant 1.000000e+00 : f32
        %parallel_loop3A_328 = vector.broadcast %parallel_loop3A_327 : f32 to vector<16xf32>
        %parallel_loop3A_329 = arith.subf %parallel_loop3A_328, %parallel_loop3A_295 : vector<16xf32>
        %parallel_loop3A_330 = arith.constant 9.99999974E-5 : f32
        %parallel_loop3A_331 = vector.broadcast %parallel_loop3A_330 : f32 to vector<16xf32>
        %parallel_loop3A_332 = arith.maximumf %parallel_loop3A_329, %parallel_loop3A_331 : vector<16xf32>
        %parallel_loop3A_333 = arith.mulf %parallel_loop3A_295, %parallel_loop3A_332 : vector<16xf32>
        %parallel_loop3A_334 = arith.constant 0 : i32
        %parallel_loop3A_335 = arith.index_cast %parallel_loop3A_334 : i32 to index
        %parallel_loop3A_336 = arith.index_cast %parallel_loop3A_283 : i32 to index
        %parallel_loop3A_337 = tpu.vector_load %arg5[%parallel_loop3A_335, %parallel_loop3A_336] {strides = array<i32>} : memref<2x4096xf32, #tpu.memory_space<vmem>>, vector<1x16xf32>,
        %parallel_loop3A_338 = vector.shape_cast %parallel_loop3A_337 : vector<1x16xf32> to vector<16xf32>
        %parallel_loop3A_339 = vector.shape_cast %parallel_loop3A_326 : vector<16xf32> to vector<1x16xf32>
        tpu.vector_store %arg5[%parallel_loop3A_335, %parallel_loop3A_336], %parallel_loop3A_339 {strides = array<i32>} : memref<2x4096xf32, #tpu.memory_space<vmem>>, vector<1x16xf32>,
        %parallel_loop3A_340 = arith.constant 1 : i32
        %parallel_loop3A_341 = arith.index_cast %parallel_loop3A_340 : i32 to index
        %parallel_loop3A_342 = arith.index_cast %parallel_loop3A_283 : i32 to index
        %parallel_loop3A_343 = tpu.vector_load %arg5[%parallel_loop3A_341, %parallel_loop3A_342] {strides = array<i32>} : memref<2x4096xf32, #tpu.memory_space<vmem>>, vector<1x16xf32>,
        %parallel_loop3A_344 = vector.shape_cast %parallel_loop3A_343 : vector<1x16xf32> to vector<16xf32>
        %parallel_loop3A_345 = vector.shape_cast %parallel_loop3A_333 : vector<16xf32> to vector<1x16xf32>
        tpu.vector_store %arg5[%parallel_loop3A_341, %parallel_loop3A_342], %parallel_loop3A_345 {strides = array<i32>} : memref<2x4096xf32, #tpu.memory_space<vmem>>, vector<1x16xf32>,
        %parallel_loop3A_346 = arith.addf %parallel_loop3A_280, %parallel_loop3A_326 : vector<16xf32>
        %parallel_loop3A_347 = arith.addf %parallel_loop3A_281, %parallel_loop3A_333 : vector<16xf32>
        scf.yield %parallel_loop3A_346, %parallel_loop3A_347 : vector<16xf32>, vector<16xf32>
      } {sc.loop_unroll_factor = 8 : i64, sc.parallel_access}
      scf.yield %parallel_loop3A_278#0, %parallel_loop3A_278#1 : vector<16xf32>, vector<16xf32>
    }
    %scan3A_138 = arith.constant 14 : i32
    %iota3A_139 = tpu.iota {dimensions = array<i32: 0>} : vector<16xi32>
    %xor3A_140 = arith.constant 1 : i32
    %xor3A_141 = vector.broadcast %xor3A_140 : i32 to vector<16xi32>
    %xor3A_142 = arith.xori %iota3A_139, %xor3A_141 : vector<16xi32>
    %broadcast_in_dim3A_143 = vector.shape_cast %xor3A_142 : vector<16xi32> to vector<16x1xi32>
    %gather3A_144 = vector.shape_cast %broadcast_in_dim3A_143 : vector<16x1xi32> to vector<16xi32>
    %gather3A_145 = tpu.dynamic_gather %scan3A_137#0[%gather3A_144] in [0] : vector<16xf32>, vector<16xi32> -> vector<16xf32>
    %add3A_146 = arith.addf %scan3A_137#0, %gather3A_145 : vector<16xf32>
    %xor3A_147 = arith.constant 2 : i32
    %xor3A_148 = vector.broadcast %xor3A_147 : i32 to vector<16xi32>
    %xor3A_149 = arith.xori %iota3A_139, %xor3A_148 : vector<16xi32>
    %broadcast_in_dim3A_150 = vector.shape_cast %xor3A_149 : vector<16xi32> to vector<16x1xi32>
    %gather3A_151 = vector.shape_cast %broadcast_in_dim3A_150 : vector<16x1xi32> to vector<16xi32>
    %gather3A_152 = tpu.dynamic_gather %add3A_146[%gather3A_151] in [0] : vector<16xf32>, vector<16xi32> -> vector<16xf32>
    %add3A_153 = arith.addf %add3A_146, %gather3A_152 : vector<16xf32>
    %xor3A_154 = arith.constant 4 : i32
    %xor3A_155 = vector.broadcast %xor3A_154 : i32 to vector<16xi32>
    %xor3A_156 = arith.xori %iota3A_139, %xor3A_155 : vector<16xi32>
    %broadcast_in_dim3A_157 = vector.shape_cast %xor3A_156 : vector<16xi32> to vector<16x1xi32>
    %gather3A_158 = vector.shape_cast %broadcast_in_dim3A_157 : vector<16x1xi32> to vector<16xi32>
    %gather3A_159 = tpu.dynamic_gather %add3A_153[%gather3A_158] in [0] : vector<16xf32>, vector<16xi32> -> vector<16xf32>
    %add3A_160 = arith.addf %add3A_153, %gather3A_159 : vector<16xf32>
    %xor3A_161 = arith.constant 8 : i32
    %xor3A_162 = vector.broadcast %xor3A_161 : i32 to vector<16xi32>
    %xor3A_163 = arith.xori %iota3A_139, %xor3A_162 : vector<16xi32>
    %broadcast_in_dim3A_164 = vector.shape_cast %xor3A_163 : vector<16xi32> to vector<16x1xi32>
    %gather3A_165 = vector.shape_cast %broadcast_in_dim3A_164 : vector<16x1xi32> to vector<16xi32>
    %gather3A_166 = tpu.dynamic_gather %add3A_160[%gather3A_165] in [0] : vector<16xf32>, vector<16xi32> -> vector<16xf32>
    %add3A_167 = arith.addf %add3A_160, %gather3A_166 : vector<16xf32>
    %div3A_168 = arith.constant 1.000000e+00 : f32
    %div3A_169 = vector.broadcast %div3A_168 : f32 to vector<16xf32>
    %div3A_170 = arith.divf %div3A_169, %add3A_167 : vector<16xf32>
    %iota3A_171 = tpu.iota {dimensions = array<i32: 0>} : vector<16xi32>
    %xor3A_172 = arith.constant 1 : i32
    %xor3A_173 = vector.broadcast %xor3A_172 : i32 to vector<16xi32>
    %xor3A_174 = arith.xori %iota3A_171, %xor3A_173 : vector<16xi32>
    %broadcast_in_dim3A_175 = vector.shape_cast %xor3A_174 : vector<16xi32> to vector<16x1xi32>
    %gather3A_176 = vector.shape_cast %broadcast_in_dim3A_175 : vector<16x1xi32> to vector<16xi32>
    %gather3A_177 = tpu.dynamic_gather %scan3A_137#1[%gather3A_176] in [0] : vector<16xf32>, vector<16xi32> -> vector<16xf32>
    %add3A_178 = arith.addf %scan3A_137#1, %gather3A_177 : vector<16xf32>
    %xor3A_179 = arith.constant 2 : i32
    %xor3A_180 = vector.broadcast %xor3A_179 : i32 to vector<16xi32>
    %xor3A_181 = arith.xori %iota3A_171, %xor3A_180 : vector<16xi32>
    %broadcast_in_dim3A_182 = vector.shape_cast %xor3A_181 : vector<16xi32> to vector<16x1xi32>
    %gather3A_183 = vector.shape_cast %broadcast_in_dim3A_182 : vector<16x1xi32> to vector<16xi32>
    %gather3A_184 = tpu.dynamic_gather %add3A_178[%gather3A_183] in [0] : vector<16xf32>, vector<16xi32> -> vector<16xf32>
    %add3A_185 = arith.addf %add3A_178, %gather3A_184 : vector<16xf32>
    %xor3A_186 = arith.constant 4 : i32
    %xor3A_187 = vector.broadcast %xor3A_186 : i32 to vector<16xi32>
    %xor3A_188 = arith.xori %iota3A_171, %xor3A_187 : vector<16xi32>
    %broadcast_in_dim3A_189 = vector.shape_cast %xor3A_188 : vector<16xi32> to vector<16x1xi32>
    %gather3A_190 = vector.shape_cast %broadcast_in_dim3A_189 : vector<16x1xi32> to vector<16xi32>
    %gather3A_191 = tpu.dynamic_gather %add3A_185[%gather3A_190] in [0] : vector<16xf32>, vector<16xi32> -> vector<16xf32>
    %add3A_192 = arith.addf %add3A_185, %gather3A_191 : vector<16xf32>
    %xor3A_193 = arith.constant 8 : i32
    %xor3A_194 = vector.broadcast %xor3A_193 : i32 to vector<16xi32>
    %xor3A_195 = arith.xori %iota3A_171, %xor3A_194 : vector<16xi32>
    %broadcast_in_dim3A_196 = vector.shape_cast %xor3A_195 : vector<16xi32> to vector<16x1xi32>
    %gather3A_197 = vector.shape_cast %broadcast_in_dim3A_196 : vector<16x1xi32> to vector<16xi32>
    %gather3A_198 = tpu.dynamic_gather %add3A_192[%gather3A_197] in [0] : vector<16xf32>, vector<16xi32> -> vector<16xf32>
    %add3A_199 = arith.addf %add3A_192, %gather3A_198 : vector<16xf32>
    %div3A_200 = arith.constant 1.000000e+00 : f32
    %div3A_201 = vector.broadcast %div3A_200 : f32 to vector<16xf32>
    %div3A_202 = arith.divf %div3A_201, %add3A_199 : vector<16xf32>
    %parallel_loop3A_203 = arith.constant 0 : i32
    %parallel_loop3A_204 = arith.constant 256 : i32
    %parallel_loop3A_205 = arith.constant 1 : i32
    %parallel_loop3A_206 = arith.constant 0 : i32
    %parallel_loop3A_207 = scf.for %parallel_loop3A_208 = %parallel_loop3A_203 to %parallel_loop3A_204 step %parallel_loop3A_205 iter_args(%parallel_loop3A_209 = %parallel_loop3A_206) -> (i32)  : i32 {
      %parallel_loop3A_210 = arith.constant 16 : i32
      %parallel_loop3A_211 = arith.muli %parallel_loop3A_208, %parallel_loop3A_210 : i32
      %parallel_loop3A_212 = arith.constant 0 : i32
      %parallel_loop3A_213 = arith.index_cast %parallel_loop3A_212 : i32 to index
      %parallel_loop3A_214 = arith.index_cast %parallel_loop3A_211 : i32 to index
      %parallel_loop3A_215 = tpu.vector_load %arg6[%parallel_loop3A_213, %parallel_loop3A_214] {strides = array<i32>} : memref<2x4096xf32, #tpu.memory_space<vmem>>, vector<1x16xf32>,
      %parallel_loop3A_216 = vector.shape_cast %parallel_loop3A_215 : vector<1x16xf32> to vector<16xf32>
      %parallel_loop3A_217 = arith.constant 0 : i32
      %parallel_loop3A_218 = arith.index_cast %parallel_loop3A_217 : i32 to index
      %parallel_loop3A_219 = arith.index_cast %parallel_loop3A_211 : i32 to index
      %parallel_loop3A_220 = tpu.vector_load %arg5[%parallel_loop3A_218, %parallel_loop3A_219] {strides = array<i32>} : memref<2x4096xf32, #tpu.memory_space<vmem>>, vector<1x16xf32>,
      %parallel_loop3A_221 = vector.shape_cast %parallel_loop3A_220 : vector<1x16xf32> to vector<16xf32>
      %parallel_loop3A_222 = arith.mulf %parallel_loop3A_221, %div3A_170 : vector<16xf32>
      %parallel_loop3A_223 = arith.addf %parallel_loop3A_216, %parallel_loop3A_222 : vector<16xf32>
      %parallel_loop3A_224 = arith.constant 0 : i32
      %parallel_loop3A_225 = arith.index_cast %parallel_loop3A_224 : i32 to index
      %parallel_loop3A_226 = arith.index_cast %parallel_loop3A_211 : i32 to index
      %parallel_loop3A_227 = tpu.vector_load %arg6[%parallel_loop3A_225, %parallel_loop3A_226] {strides = array<i32>} : memref<2x4096xf32, #tpu.memory_space<vmem>>, vector<1x16xf32>,
      %parallel_loop3A_228 = vector.shape_cast %parallel_loop3A_227 : vector<1x16xf32> to vector<16xf32>
      %parallel_loop3A_229 = vector.shape_cast %parallel_loop3A_223 : vector<16xf32> to vector<1x16xf32>
      tpu.vector_store %arg6[%parallel_loop3A_225, %parallel_loop3A_226], %parallel_loop3A_229 {strides = array<i32>} : memref<2x4096xf32, #tpu.memory_space<vmem>>, vector<1x16xf32>,
      %parallel_loop3A_230 = arith.constant 1 : i32
      %parallel_loop3A_231 = arith.index_cast %parallel_loop3A_230 : i32 to index
      %parallel_loop3A_232 = arith.index_cast %parallel_loop3A_211 : i32 to index
      %parallel_loop3A_233 = tpu.vector_load %arg6[%parallel_loop3A_231, %parallel_loop3A_232] {strides = array<i32>} : memref<2x4096xf32, #tpu.memory_space<vmem>>, vector<1x16xf32>,
      %parallel_loop3A_234 = vector.shape_cast %parallel_loop3A_233 : vector<1x16xf32> to vector<16xf32>
      %parallel_loop3A_235 = arith.constant 1 : i32
      %parallel_loop3A_236 = arith.index_cast %parallel_loop3A_235 : i32 to index
      %parallel_loop3A_237 = arith.index_cast %parallel_loop3A_211 : i32 to index
      %parallel_loop3A_238 = tpu.vector_load %arg5[%parallel_loop3A_236, %parallel_loop3A_237] {strides = array<i32>} : memref<2x4096xf32, #tpu.memory_space<vmem>>, vector<1x16xf32>,
      %parallel_loop3A_239 = vector.shape_cast %parallel_loop3A_238 : vector<1x16xf32> to vector<16xf32>
      %parallel_loop3A_240 = arith.mulf %parallel_loop3A_239, %div3A_202 : vector<16xf32>
      %parallel_loop3A_241 = arith.addf %parallel_loop3A_234, %parallel_loop3A_240 : vector<16xf32>
      %parallel_loop3A_242 = arith.constant 1 : i32
      %parallel_loop3A_243 = arith.index_cast %parallel_loop3A_242 : i32 to index
      %parallel_loop3A_244 = arith.index_cast %parallel_loop3A_211 : i32 to index
      %parallel_loop3A_245 = tpu.vector_load %arg6[%parallel_loop3A_243, %parallel_loop3A_244] {strides = array<i32>} : memref<2x4096xf32, #tpu.memory_space<vmem>>, vector<1x16xf32>,
      %parallel_loop3A_246 = vector.shape_cast %parallel_loop3A_245 : vector<1x16xf32> to vector<16xf32>
      %parallel_loop3A_247 = vector.shape_cast %parallel_loop3A_241 : vector<16xf32> to vector<1x16xf32>
      tpu.vector_store %arg6[%parallel_loop3A_243, %parallel_loop3A_244], %parallel_loop3A_247 {strides = array<i32>} : memref<2x4096xf32, #tpu.memory_space<vmem>>, vector<1x16xf32>,
      scf.yield %parallel_loop3A_209 : i32
    } {sc.loop_unroll_factor = 8 : i64, sc.parallel_access}
    "tpu.region"() ({
      %run_scoped3A = tpu.sem_alloc : memref<!tpu.dma_semaphore, #tpu.memory_space<semaphore_mem>>
      %dma_start3A = arith.constant 0 : i32
      %dma_start3A_208 = tpu.memref_slice %arg4[%mul3A_2, %dma_start3A] : memref<64x4096xf32, #tpu.memory_space<hbm>> -> memref<2x4096xf32, #tpu.memory_space<hbm>>
      %dma_start3A_209 = arith.constant 0 : i32
      %dma_start3A_210 = tpu.memref_slice %arg4[%mul3A_2, %dma_start3A_209] : memref<64x4096xf32, #tpu.memory_space<hbm>> -> memref<2x4096xf32, #tpu.memory_space<hbm>>
      tpu.enqueue_dma source(%arg6 : memref<2x4096xf32, #tpu.memory_space<vmem>>) target(%dma_start3A_210 : memref<2x4096xf32, #tpu.memory_space<hbm>>) target_semaphore(%run_scoped3A : memref<!tpu.dma_semaphore, #tpu.memory_space<semaphore_mem>>)
      %dma_wait3A = arith.constant 0 : i32
      %dma_wait3A_211 = tpu.memref_slice %arg4[%mul3A_2, %dma_wait3A] : memref<64x4096xf32, #tpu.memory_space<hbm>> -> memref<2x4096xf32, #tpu.memory_space<hbm>>
      %dma_wait3A_212 = arith.constant 0 : i32
      %dma_wait3A_213 = tpu.memref_slice %arg4[%mul3A_2, %dma_wait3A_212] : memref<64x4096xf32, #tpu.memory_space<hbm>> -> memref<2x4096xf32, #tpu.memory_space<hbm>>
      tpu.wait_dma2 semaphore(%run_scoped3A : memref<!tpu.dma_semaphore, #tpu.memory_space<semaphore_mem>>) src(%arg6 : memref<2x4096xf32, #tpu.memory_space<vmem>>) dst(%dma_wait3A_213 : memref<2x4096xf32, #tpu.memory_space<hbm>>)
      tpu.yield
    }) : () -> ()
    return
  }
}

</mosaic_0001>

<sc_bundles>
// kernel: kernel.5.cloned.1.call-start
scs
__scs_entry_jumppad:
0x0: {  	(pc) =	sbr.rel $0x88, $3  }
0x1: {  	(tag) =	ssettag $0x0;
	lr =	simm.s32 $0x1  }
0x2: {  	[smem:$0x3FA0] =	sst lr;
	_ =	strace $0xD0000000  }
0x3: {  	_ = 	snop  }
0x4: {  	_ = 	snop  }
0x5: {  	_ = 	snop  }
0x6: {  	_ = 	snop  }
0x7: {  	_ = 	snop  }
__scs_overlays_trampoline_lowered:
0x8: {  	[smem:$0x3FAF] =	sst s0  }
0x9: {  	[smem:$0x3FB0] =	sst s1  }
0xa: {  	[smem:$0x3FB1] =	sst s2  }
0xb: {  	[smem:$0x3FB2] =	sst s3  }
0xc: {  	[smem:$0x3FB3] =	sst s4  }
0xd: {  	[smem:$0x3FB4] =	sst s5  }
0xe: {  	[smem:$0x3FB5] =	sst s6  }
0xf: {  	[smem:$0x3FB6] =	sst s7  }
0x10: {  	[smem:$0x3FB7] =	sst s8  }
0x11: {  	[smem:$0x3FB8] =	sst s9;
	s0 =	simm.s32 @!p0 $0x0  }
0x12: {  	s1 =	sld [smem:$0x3F9E];
	s0 =	simm.s32 @p0 $0x1  }
0x13: {  	[smem:$0x3FB9] =	sst s0;
	s0 =	simm.s32 @!p1 $0x0  }
0x14: {  	s2 =	sld [smem:$0x3F9D];
	s0 =	simm.s32 @p1 $0x1  }
0x15: {  	[smem:$0x3FBA] =	sst s0;
	s0 =	simm.s32 @!p2 $0x0  }
0x16: {  	s3 =	sld [smem:$0x3FDB];
	s0 =	simm.s32 @p2 $0x1  }
0x17: {  	s4 =	simm.s32 $0x1BF5;
	[smem:$0x3FBC] =	sst s0  }
0x18: {  	s0 =	sld [smem:$0x3F9F];
	_ =	swait.ge [sflag:s4], $0x0  }
0x19: {  	s7 =	sld [smem:$0x3FA0]  }
0x1a: {  	s8 =	sadd.s32 $0xFFFFE003, lr  }
0x1b: {  	s9 =	sadd.s32 $0xFFFFFEF7, lr;
	s5 =	simm.s32 $0xFFFFFFFF;
	p2 =	slt.u32 s8, $0xFFFFF086  }
0x1c: {  	p1 =	slt.u32 s9, $0xF7A;
	s5 =	simm.s32 @!p2 $0x0  }
0x1d: {  	s5 =	simm.s32 @p1 $0x1;
	p0 =	seq.s32 s7, s2  }
0x1e: {  	s7 =	smul.u32 @!p0 $0xF7A, s2;
	p2 =	seq.s32 @!p0 s5, $0x0  }
0x1f: {  	s9 =	smul.u32 $0xF7A, s1;
	s8 =	simm.s32 @!p0 $0x1BF5;
	p2 =	por !p2, p0  }
0x20: {  	[sflag:s8] =	ssyncset.s32 @!p0 $0xFFFFF086;
	s6 =	sadd.s32 @!p0 s3, s7;
	s7 =	simm.s32 @!p0 $0x108  }
0x21: {  	s3 =	sadd.s32 s3, s9;
	s6 =	sadd.s32 @!p0 $0x88, s6;
	s7 =	simm.s32 @p2 $0x1082  }
0x22: {  	[simem:s7], [sflag:s8] =	dma.local @!p0 [hbm:s6], $0xF7A  }
0x23: {  	s9 =	sor.u32 $0xD0000000, s2;
	s6 =	simm.s32 $0x108;
	_ =	swait.ge @!p0 [sflag:s8], $0x0  }
0x24: {  	s3 =	sadd.s32 $0x88, s3;
	s6 =	simm.s32 @!p1 $0x1082;
	[sflag:s4] =	ssyncset.s32 $0xFFFFF086  }
0x25: {  	[simem:s6], [sflag:s4] =	dma.local [hbm:s3], $0xF7A  }
0x26: {  	[smem:$0x3FA0] =	sst s1;
	(tag) =	ssettag s2;
	_ =	strace s9  }
0x27: {  	s1 =	sld [smem:$0x3FB0]  }
0x28: {  	s2 =	sld [smem:$0x3FB1]  }
0x29: {  	s4 =	sld [smem:$0x3FB3]  }
0x2a: {  	p0 =	seq.s32 s5, $0x0;
	s5 =	sld [smem:$0x3FB4]  }
0x2b: {  	s6 =	sld [smem:$0x3FB5]  }
0x2c: {  	s7 =	sld [smem:$0x3FB6]  }
0x2d: {  	s3 =	simm.s32 $0x108;
	s8 =	sld [smem:$0x3FB7]  }
0x2e: {  	s3 =	simm.s32 @!p0 $0x1082;
	s9 =	sld [smem:$0x3FB8]  }
0x2f: {  	lr =	sadd.s32 s0, s3;
	s0 =	sld [smem:$0x3FAF]  }
0x30: {  	s3 =	sld [smem:$0x3FB2]  }
0x31: {  	[smem:$0x3FBB] =	sst s10  }
0x32: {  	s10 =	sld [smem:$0x3FB9];
	_ =	sdelay $0x3  }
0x33: {  	p0 =	seq.s32 s10, $0x1;
	s10 =	sld [smem:$0x3FBB];
	_ =	sdelay $0x3  }
0x34: {  	[smem:$0x3FBB] =	sst s10  }
0x35: {  	s10 =	sld [smem:$0x3FBA];
	_ =	sdelay $0x3  }
0x36: {  	p1 =	seq.s32 s10, $0x1;
	s10 =	sld [smem:$0x3FBB];
	_ =	sdelay $0x3  }
0x37: {  	[smem:$0x3FBB] =	sst s10  }
0x38: {  	s10 =	sld [smem:$0x3FBC]  }
0x39: {  	_ = 	snop;
	(pc) =	sbr.ind lr, $3  }
0x3a: {  	_ = 	snop  }
0x3b: {  	_ = 	snop  }
0x3c: {  	p2 =	seq.s32 s10, $0x1;
	s10 =	sld [smem:$0x3FBB]  }
0x3d: {  	_ =	shalt  }
0x3e: {  	_ =	shalt  }
0x3f: {  	_ =	shalt  }
0x40: {  	_ =	shalt  }
0x41: {  	_ =	shalt  }
0x42: {  	_ =	shalt  }
0x43: {  	_ =	shalt  }
0x44: {  	_ =	shalt  }
0x45: {  	_ =	shalt  }
0x46: {  	_ =	shalt  }
0x47: {  	_ =	shalt  }
0x48: {  	_ =	shalt  }
0x49: {  	_ =	shalt  }
0x4a: {  	_ =	shalt  }
0x4b: {  	_ =	shalt  }
0x4c: {  	_ =	shalt  }
0x4d: {  	_ =	shalt  }
0x4e: {  	_ =	shalt  }
0x4f: {  	_ =	shalt  }
0x50: {  	_ =	shalt  }
0x51: {  	_ =	shalt  }
0x52: {  	_ =	shalt  }
0x53: {  	_ =	shalt  }
0x54: {  	_ =	shalt  }
0x55: {  	_ =	shalt  }
0x56: {  	_ =	shalt  }
0x57: {  	_ =	shalt  }
0x58: {  	_ =	shalt  }
0x59: {  	_ =	shalt  }
0x5a: {  	_ =	shalt  }
0x5b: {  	_ =	shalt  }
0x5c: {  	_ =	shalt  }
0x5d: {  	_ =	shalt  }
0x5e: {  	_ =	shalt  }
0x5f: {  	_ =	shalt  }
0x60: {  	_ =	shalt  }
0x61: {  	_ =	shalt  }
0x62: {  	_ =	shalt  }
0x63: {  	_ =	shalt  }
0x64: {  	_ =	shalt  }
0x65: {  	_ =	shalt  }
0x66: {  	_ =	shalt  }
0x67: {  	_ =	shalt  }
0x68: {  	_ =	shalt  }
0x69: {  	_ =	shalt  }
0x6a: {  	_ =	shalt  }
0x6b: {  	_ =	shalt  }
0x6c: {  	_ =	shalt  }
0x6d: {  	_ =	shalt  }
0x6e: {  	_ =	shalt  }
0x6f: {  	_ =	shalt  }
0x70: {  	_ =	shalt  }
0x71: {  	_ =	shalt  }
0x72: {  	_ =	shalt  }
0x73: {  	_ =	shalt  }
0x74: {  	_ =	shalt  }
0x75: {  	_ =	shalt  }
0x76: {  	_ =	shalt  }
0x77: {  	_ =	shalt  }
0x78: {  	_ =	shalt  }
0x79: {  	_ =	shalt  }
0x7a: {  	_ =	shalt  }
0x7b: {  	_ =	shalt  }
0x7c: {  	_ =	shalt  }
0x7d: {  	_ =	shalt  }
0x7e: {  	_ =	shalt  }
0x7f: {  	_ =	shalt  }
0x80: {  	_ =	shalt  }
0x81: {  	_ =	shalt  }
0x82: {  	_ =	shalt  }
0x83: {  	_ =	shalt  }
0x84: {  	_ =	shalt  }
0x85: {  	_ =	shalt  }
0x86: {  	_ =	shalt  }
0x87: {  	_ =	shalt  }
.Lfunc_end0:
.L_simem_size_0:
called_computation_lowered:
.L_overlay_start_0:
0x88: {  	s2 =	sld [smem:$0x3FD9]  }
0x89: {  	s3 =	sld [smem:$0x3FFE];
	_ =	sdelay $0x1  }
0x8a: {  	s1 =	srdreg.scid  }
0x8b: {  	s0 =	sand.u32 $0x1, s1  }
0x8c: {  	s17 =	sshll.u32 s0, $0xA;
	s2 =	sadd.s32 s3, s2  }
0x8d: {  	s2 =	sadd.s32 s2, s17  }
0x8e: {  	[smem:$0x3FC7] =	sst s2  }
0x8f: {  	_ = 	snop  }
0x90: {  	s2 =	sld [smem:$0x3FC9]  }
0x91: {  	s18 =	sld [smem:$0x3FD0];
	(tm) =	ssettm $0x1  }
0x92: {  	s4 =	sld [smem:$0x3FFB];
	_ =	sdelay $0x3  }
0x93: {  	_ =	strace s4  }
0x94: {  	s4 =	sld [smem:$0x3FFC];
	_ =	sdelay $0x3  }
0x95: {  	_ =	strace s4  }
0x96: {  	s4 =	sld [smem:$0x3FFD];
	_ =	sdelay $0x3  }
0x97: {  	_ =	strace s4  }
0x98: {  	_ =	strace $0x8FFFFFFF  }
0x99: {  	s19 =	sld [smem:$0x3FDB];
	_ =	sdelay $0x1  }
0x9a: {  	s5 =	simm.s32 $_scs_section_size  }
0x9b: {  	s6 =	simm.s32 $_size__tile_overlayer_lowered;
	s7 =	simm.s32 $_tile_overlayer_lowered  }
0x9c: {  	s22 =	simm.s32 $0x1BFF;
	s21 =	sshll.u32 s7, $0x1;
	s4 =	sadd.s32 s5, s19  }
0x9d: {  	s8 =	simm.s32 $0x0;
	s20 =	sshll.u32 s6, $0x1;
	s6 =	sadd.s32 s21, s4  }
0x9e: {  	[timem:s8], [sflag:s22] =	dma.local [hbm:s6], s20  }
0x9f: {  	_ =	swait.ge [sflag:s22], s20  }
0xa0: {  	s5 =	ssub.s32 $0x0, s20;
	[sflag:s22] =	ssyncset.done $0x0  }
0xa1: {  	[sflag:s22] =	ssyncadd.s32 s5;
	_ =	sdelay $0x1  }
0xa2: {  	s23 =	simm.s32 $0x1B8B  }
0xa3: {  	_ =	swait.ge [sflag:s23], $0x1  }
0xa4: {  	[sflag:s23] =	ssyncset.done $0x0  }
0xa5: {  	s25 =	simm.s32 $0x1B8E;
	s24 =	sld [smem:$0x3FFE];
	[sflag:s23] =	ssyncadd.s32 $0xFFFFFFFF  }
0xa6: {  	s26 =	simm.s32 $execute0_lowered;
	[smem:$0x3FD2] =	sst s25  }
0xa7: {  	s6 =	sshll.u32 s26, $0x1;
	_ =	strace $0x80000046;
	[dreg:$0x1] =	wrdreg $0xFFFFFFFF  }
0xa8: {  	s28 =	simm.s32 $_size_execute0_lowered;
	s4 =	sadd.s32 s4, s6;
	[dreg:$0x0] =	wrdreg $0x0  }
0xa9: {  	s6 =	sshll.u32 s28, $0x1;
	[dreg:$0x2] =	wrdreg s4  }
0xaa: {  	[dreg:$0x3] =	wrdreg s6  }
0xab: {  	[dreg:$0x4] =	wrdreg $0xC0  }
0xac: {  	_ =	task [dreg:s8], $0x5FFFF  }
0xad: {  	[dreg:$0x1] =	wrdreg $0xFFFFFFFF  }
0xae: {  	[dreg:$0x0] =	wrdreg $0x60  }
0xaf: {  	[dreg:$0x2] =	wrdreg s2  }
0xb0: {  	[dreg:$0x3] =	wrdreg s24  }
0xb1: {  	[dreg:$0x4] =	wrdreg s18  }
0xb2: {  	[dreg:$0x5] =	wrdreg $0x9  }
0xb3: {  	_ =	task.clear_ibuf [dreg:s8], $0x6FFFF;
	_ =	strace $0x90000046  }
0xb4: {  	s29 =	simm.s32 $0x9;
	_ =	strace $0x80000048  }
0xb5: {  	_ =	swait.ge [sflag:s29], $0x1  }
0xb6: {  	[sflag:s29] =	ssyncadd.s32 $0xFFFFFFFF  }
0xb7: {  	_ =	strace $0x90000048  }
0xb8: {  	_ =	sfence  }
0xb9: {  	s30 =	sld [smem:$0x0];
	_ =	sdelay $0x2  }
0xba: {  	s31 =	sshll.u32 s1, $0xD;
	s1 =	sshrl.u32 s1, $0x2  }
0xbb: {  	s3 =	sand.u32 $0x4000, s31;
	s1 =	sadd.s32 s1, s30  }
0xbc: {  	s0 =	sor.u32 s3, s0;
	s1 =	sshll.u32 s1, $0x11  }
0xbd: {  	s0 =	sor.u32 s1, s0  }
0xbe: {  	s0 =	sadd.s32 $0x8F2B, s0  }
0xbf: {  	[sflag:s0] =	ssyncadd.remote.s32 $0x1  }
0xc0: {  	_ =	sfence.sel $0xFFFF  }
0xc1: {  	[dreg:$0x0] =	wrdreg $0xFFFFFFFF;
	(pc) =	sbr.abs _section_cstart, $3  }
0xc2: {  	[dreg:$0x1] =	wrdreg $0xFFFFFFFF  }
0xc3: {  	_ =	task.clear_ibuf [dreg:s8], $0x2FFFF;
	_ =	strace $0x9FFFFFFF  }
0xc4: {  	(tm) =	ssettm $0x7FFFFFFF  }
0xc5: {  	_ =	shalt  }
tec
execute0_lowered:
.L_overlay_start_1:
0x0: {  	(tag) =	ssettag $0x1  }
0x1: {  	s3 =	rddreg [dreg:$0x0]  }
0x2: {  	v0 =	vimm.s32 $0xEFCDAB89;
	s4 =	rddreg [dreg:$0x1]  }
0x3: {  	v1 =	vimm.s32 $0x67452301;
	v2 =	vimm.s32 $0xDCFE98BA;
	s5 =	rddreg [dreg:$0x2];
	v3 =	vimm.s32 $0x54761032  }
0x4: {  	s0 =	rddreg [dreg:$0x3];
	v4 =	vimm.s32 $0xBA98FEDC;
	v5 =	vimm.s32 $0x32107654;
	v6 =	vimm.s32 $0xFEDCBA98  }
0x5: {  	s6 =	srdreg.scid;
	s1 =	stileid.u32;
	v7 =	vimm.s32 $0x76543210;
	v0 =	vunpack.c.l.s4.s8 v0;
	v1 =	vunpack.c.l.s4.s8 v1  }
0x6: {  	s2 =	simm.s32 $0x0;
	s10 =	simm.s32 $0x2000;
	s11 =	simm.s32 $0x0;
	v2 =	vunpack.c.l.s4.s8 v2;
	v3 =	vunpack.c.l.s4.s8 v3;
	v4 =	vunpack.c.l.s4.s8 v4  }
0x7: {  	s6 =	sand.u32 $0x1, s6;
	s7 =	sshll.u32 s1, $0x6;
	s9 =	sshll.u32 s1, $0xB;
	v5 =	vunpack.c.l.s4.s8 v5;
	v6 =	vunpack.c.l.s4.s8 v6;
	v7 =	vunpack.c.l.s4.s8 v7  }
0x8: {  	[smem:$0x7FF] =	sst s2;
	s8 =	sshll.u32 s6, $0x5;
	s7 =	sand.u32 $0x40, s7;
	v0 =	vunpack.c.0.s8.s32 v0;
	v1 =	vunpack.c.0.s8.s32 v1;
	v2 =	vunpack.c.0.s8.s32 v2  }
0x9: {  	s9 =	sand.u32 $0x7000, s9;
	s6 =	ssub.s32 $0x2, s6;
	_ =	strace $0x80000047;
	v3 =	vunpack.c.0.s8.s32 v3;
	v4 =	vunpack.c.0.s8.s32 v4;
	v5 =	vunpack.c.0.s8.s32 v5  }
0xa: {  	s7 =	sor.u32 s8, s7;
	s31 =	sshrl.u32 s6, $0x1;
	s8 =	simm.s32 $0x400;
	v0 =	vcombine.low v1, v0;
	v1 =	vunpack.c.0.s8.s32 v6  }
0xb: {  	s7 =	sor.u32 s9, s7;
	s6 =	ssub.s32 s6, s31;
	s9 =	simm.s32 $0x1;
	v2 =	vcombine.low v3, v2;
	v3 =	vcombine.low v5, v4;
	v4 =	vunpack.c.0.s8.s32 v7  }
0xc: {  	s4 =	sadd.s32 s7, s4;
	s3 =	sadd.s32 s3, s7;
	s5 =	sadd.s32 s5, s7;
	v0 =	vand.u32 $0xF, v0;
	v5 =	vand.u32 $0xF, v1  }
0xd: {  	s6 =	smax.u32 s6, $0x1;
	s7 =	simm.s32 $0x100;
	s4 =	sadd.s32 $0x600, s4;
	v1 =	vand.u32 $0xF, v2;
	v2 =	vand.u32 $0xF, v3;
	v3 =	vcombine.low v5, v4  }
.LBB2_1:
0xe: {  	[tilespmem:s2], [sflag:$0x1] =	stream.strided.gather [hbm4b:s3+s7], $0x2000, s8, s7, $0x38;
	[tilespmem:$0x4000] =	vst v63  }
0xf: {  	_ =	swait.ge [sflag:s9], $0x2000  }
0x10: {  	[sflag:s9] =	ssyncset.done $0x0  }
0x11: {  	[sflag:s9] =	ssyncadd.s32 $0xFFFFE000  }
0x12: {  	[tilespmem:s10], [sflag:$0x1] =	stream.strided.gather [hbm4b:s4+s7], $0x2000, s8, s7, $0x38;
	[tilespmem:$0x4000] =	vst v63  }
0x13: {  	_ =	swait.ge [sflag:s9], $0x2000  }
0x14: {  	s12 =	sand.u32 $0x70, s2;
	s13 =	sand.u32 $0x1F00, s2;
	[sflag:s9] =	ssyncset.done $0x0  }
0x15: {  	s13 =	sor.u32 s12, s13;
	[sflag:s9] =	ssyncadd.s32 $0xFFFFE000  }
0x16: {  	v4 =	vld [tilespmem:s13+$0x2000]  }
0x17: {  	v5 =	vld [tilespmem:s13+$0x0]  }
0x18: {  	v7 =	vld [tilespmem:s13+$0x2080]  }
0x19: {  	v8 =	vld [tilespmem:s13+$0x80];
	_ =	sdelay $0x1  }
0x1a: {  	s31 =	simm.s32 $0x10;
	s14 =	simm.s32 $0x20  }
0x1b: {  	s12 =	sand.u32 $0x70, s31;
	s15 =	sand.u32 $0x1F00, s14  }
0x1c: {  	s12 =	sor.u32 s12, s15;
	v9 =	vadd.f32 v4, v5  }
0x1d: {  	v6 =	vld [tilespmem:s12+$0x2080];
	v4 =	vimm.f32 $-Inf;
	v8 =	vadd.f32 v7, v8  }
0x1e: {  	s15 =	simm.s32 $0x20;
	v5 =	vld [tilespmem:s12+$0x2000];
	[tilespmem:s13+$0x0] =	vst v9;
	v7 =	vmax.f32 v4, v9  }
.LBB2_2:
0x1f: {  	p0 =	sne.s32 s15, $0xFF0;
	v9 =	vld [tilespmem:s12+$0x0];
	[tilespmem:s13+$0x80] =	vst v8;
	v4 =	vmax.f32 v4, v8;
	s13 =	smov.u32 s12  }
0x20: {  	v8 =	vld [tilespmem:s13+$0x80];
	_ =	sdelay $0x1  }
.Ltmp0:
0x21: {  	s14 =	sadd.s32 $0x20, s14;
	(pc) =	sbr.rel @p0 .LBB2_2-.Ltmp0, $4  }
0x22: {  	s12 =	sand.u32 $0x70, s15;
	s16 =	sand.u32 $0x1F00, s14  }
0x23: {  	s12 =	sor.u32 s12, s16;
	v9 =	vadd.f32 v5, v9  }
0x24: {  	v5 =	vld [tilespmem:s12+$0x2000];
	v8 =	vadd.f32 v6, v8  }
0x25: {  	s15 =	sadd.s32 $0x10, s15;
	v6 =	vld [tilespmem:s12+$0x2080];
	[tilespmem:s13+$0x0] =	vst v9;
	v7 =	vmax.f32 v7, v9  }
0x26: {  	v9 =	vld [tilespmem:s12+$0x0];
	[tilespmem:s13+$0x80] =	vst v8  }
0x27: {  	v10 =	vld [tilespmem:s12+$0x80];
	_ =	sdelay $0x3  }
0x28: {  	v5 =	vadd.f32 v5, v9  }
0x29: {  	v6 =	vadd.f32 v6, v10  }
0x2a: {  	v4 =	vmax.f32 v4, v8;
	v7 =	vmax.f32 v7, v5  }
0x2b: {  	v4 =	vmax.f32 v4, v6;
	v8 =	vperm.xlane v7, v0  }
0x2c: {  	v9 =	vperm.xlane v4, v0  }
0x2d: {  	v7 =	vmax.f32 v7, v8  }
0x2e: {  	v8 =	vperm.xlane v7, v1;
	v4 =	vmax.f32 v4, v9  }
0x2f: {  	s30 =	simm.s32 $0x0;
	v9 =	vperm.xlane v4, v1  }
0x30: {  	s14 =	sand.u32 $0x70, s30;
	s13 =	sand.u32 $0x1F00, s30;
	[tilespmem:s12+$0x0] =	vst v5;
	v5 =	vmax.f32 v7, v8  }
0x31: {  	[tilespmem:s12+$0x80] =	vst v6;
	s12 =	sor.u32 s14, s13;
	v6 =	vperm.xlane v5, v2;
	v4 =	vmax.f32 v4, v9  }
0x32: {  	v8 =	vld [tilespmem:s12+$0x0];
	v7 =	vperm.xlane v4, v2  }
0x33: {  	v5 =	vmax.f32 v5, v6;
	v6 =	vld [tilespmem:s12+$0x80]  }
0x34: {  	v9 =	vperm.xlane v5, v3;
	v7 =	vmax.f32 v4, v7  }
0x35: {  	v10 =	vperm.xlane v7, v3  }
0x36: {  	v4 =	vmax.f32 v5, v9  }
0x37: {  	v5 =	vmax.f32 v7, v10;
	v7 =	vsub.f32 v8, v4  }
0x38: {  	v6 =	vsub.f32 v6, v5  }
0x39: {  	v7 =	vmul.f32 $1.442695020e+00, v7  }
0x3a: {  	v6 =	vmul.f32 $1.442695020e+00, v6  }
0x3b: {  	(erf) = vpow2.f32 v7  }
0x3c: {  	(erf) = vpow2.f32 v6;
	_ =	sdelay $0x6  }
0x3d: {  	s31 =	simm.s32 $0x10;
	s14 =	simm.s32 $0x20  }
0x3e: {  	s13 =	sand.u32 $0x70, s31;
	s15 =	sand.u32 $0x1F00, s14;
	v6 =	vimm.f32 $0.0e+00;
	v7 =	vpop (erf)  }
0x3f: {  	s13 =	sor.u32 s13, s15;
	s15 =	simm.s32 $0x20;
	[tilespmem:s12+$0x0] =	vst v7;
	v7 =	vadd.f32 v7, v6;
	v8 =	vpop (erf)  }
.LBB2_4:
0x40: {  	p0 =	sne.s32 s15, $0xFF0;
	v9 =	vld [tilespmem:s13+$0x0];
	[tilespmem:s12+$0x80] =	vst v8;
	v6 =	vadd.f32 v8, v6;
	s12 =	smov.u32 s13  }
0x41: {  	v8 =	vld [tilespmem:s12+$0x80];
	_ =	sdelay $0x3  }
0x42: {  	v9 =	vsub.f32 v9, v4  }
0x43: {  	v8 =	vsub.f32 v8, v5  }
0x44: {  	v9 =	vmul.f32 $1.442695020e+00, v9  }
0x45: {  	v8 =	vmul.f32 $1.442695020e+00, v8  }
0x46: {  	(erf) = vpow2.f32 v9  }
0x47: {  	(erf) = vpow2.f32 v8;
	_ =	sdelay $0x4  }
.Ltmp1:
0x48: {  	(pc) =	sbr.rel @p0 .LBB2_4-.Ltmp1, $4  }
0x49: {  	_ = 	snop  }
0x4a: {  	s14 =	sadd.s32 $0x20, s14  }
0x4b: {  	s13 =	sand.u32 $0x70, s15;
	s16 =	sand.u32 $0x1F00, s14;
	v8 =	vpop (erf)  }
0x4c: {  	s15 =	sadd.s32 $0x10, s15;
	s13 =	sor.u32 s13, s16;
	[tilespmem:s12+$0x0] =	vst v8;
	v7 =	vadd.f32 v8, v7;
	v8 =	vpop (erf)  }
0x4d: {  	v9 =	vld [tilespmem:s13+$0x0]  }
0x4e: {  	[tilespmem:s12+$0x80] =	vst v8  }
0x4f: {  	v10 =	vld [tilespmem:s13+$0x80];
	_ =	sdelay $0x2  }
0x50: {  	v4 =	vsub.f32 v9, v4;
	_ =	sdelay $0x1  }
0x51: {  	v5 =	vsub.f32 v10, v5;
	v4 =	vmul.f32 $1.442695020e+00, v4;
	_ =	sdelay $0x1  }
0x52: {  	v5 =	vmul.f32 $1.442695020e+00, v5;
	(erf) = vpow2.f32 v4;
	_ =	sdelay $0x1  }
0x53: {  	(erf) = vpow2.f32 v5;
	_ =	sdelay $0x6  }
0x54: {  	v4 =	vpop (erf)  }
0x55: {  	v5 =	vadd.f32 v8, v6;
	v6 =	vadd.f32 v4, v7  }
0x56: {  	v7 =	vpop (erf)  }
0x57: {  	v5 =	vadd.f32 v7, v5;
	v8 =	vperm.xlane v6, v0;
	_ =	sdelay $0x1  }
0x58: {  	v6 =	vadd.f32 v8, v6;
	v8 =	vperm.xlane v5, v0;
	_ =	sdelay $0x1  }
0x59: {  	v5 =	vadd.f32 v8, v5  }
0x5a: {  	v9 =	vperm.xlane v6, v1  }
0x5b: {  	v8 =	vperm.xlane v5, v1  }
0x5c: {  	v6 =	vadd.f32 v9, v6  }
0x5d: {  	v5 =	vadd.f32 v8, v5  }
0x5e: {  	v9 =	vperm.xlane v6, v2  }
0x5f: {  	v8 =	vperm.xlane v5, v2  }
0x60: {  	v6 =	vadd.f32 v9, v6  }
0x61: {  	v5 =	vadd.f32 v8, v5  }
0x62: {  	v9 =	vperm.xlane v6, v3  }
0x63: {  	v8 =	vperm.xlane v5, v3  }
0x64: {  	v6 =	vadd.f32 v9, v6  }
0x65: {  	v5 =	vadd.f32 v8, v5  }
0x66: {  	(erf) = vrcp.f32 v6  }
0x67: {  	(erf) = vrcp.f32 v5  }
0x68: {  	s12 =	simm.s32 $0x0  }
0x69: {  	s14 =	sand.u32 $0x70, s12;
	s15 =	sand.u32 $0x1F00, s12;
	[tilespmem:s13+$0x0] =	vst v4  }
0x6a: {  	[tilespmem:s13+$0x80] =	vst v7;
	s13 =	sor.u32 s14, s15  }
0x6b: {  	v5 =	vld [tilespmem:s13+$0x0]  }
0x6c: {  	v6 =	vld [tilespmem:s13+$0x80];
	_ =	sdelay $0x2  }
0x6d: {  	v4 =	vpop (erf)  }
0x6e: {  	v7 =	vmul.f32 v5, v4;
	v5 =	vpop (erf)  }
0x6f: {  	v8 =	vmul.f32 v6, v5  }
0x70: {  	v6 =	vsub.f32 $1.000000000e+00, v7  }
0x71: {  	v9 =	vsub.f32 $1.000000000e+00, v8  }
0x72: {  	v6 =	vmax.f32 v6, $9.999999740e-05  }
0x73: {  	s31 =	simm.s32 $0x10;
	s14 =	simm.s32 $0x20;
	[tilespmem:s13+$0x2000] =	vst v7;
	v7 =	vmul.f32 v6, v7;
	v9 =	vmax.f32 v9, $9.999999740e-05  }
0x74: {  	s15 =	sand.u32 $0x70, s31;
	s16 =	sand.u32 $0x1F00, s14;
	[tilespmem:s13+$0x2080] =	vst v8;
	v6 =	vimm.f32 $0.0e+00;
	v8 =	vmul.f32 v9, v8  }
0x75: {  	s16 =	sor.u32 s15, s16;
	s15 =	simm.s32 $0x20;
	[tilespmem:s13+$0x0] =	vst v7;
	v7 =	vadd.f32 v7, v6  }
.LBB2_6:
0x76: {  	p0 =	sne.s32 s15, $0xFF0;
	v9 =	vld [tilespmem:s16+$0x0];
	[tilespmem:s13+$0x80] =	vst v8;
	v6 =	vadd.f32 v8, v6;
	s13 =	smov.u32 s16  }
0x77: {  	v8 =	vld [tilespmem:s13+$0x80];
	_ =	sdelay $0x3  }
0x78: {  	v9 =	vmul.f32 v9, v4  }
0x79: {  	v8 =	vmul.f32 v8, v5  }
0x7a: {  	[tilespmem:s13+$0x2000] =	vst v9;
	v10 =	vsub.f32 $1.000000000e+00, v9  }
.Ltmp2:
0x7b: {  	[tilespmem:s13+$0x2080] =	vst v8;
	v11 =	vsub.f32 $1.000000000e+00, v8;
	(pc) =	sbr.rel @p0 .LBB2_6-.Ltmp2, $4  }
0x7c: {  	v10 =	vmax.f32 v10, $9.999999740e-05  }
0x7d: {  	s14 =	sadd.s32 $0x20, s14;
	v9 =	vmul.f32 v10, v9;
	v10 =	vmax.f32 v11, $9.999999740e-05  }
0x7e: {  	s16 =	sand.u32 $0x70, s15;
	s17 =	sand.u32 $0x1F00, s14;
	v8 =	vmul.f32 v10, v8  }
0x7f: {  	s15 =	sadd.s32 $0x10, s15;
	s16 =	sor.u32 s16, s17;
	[tilespmem:s13+$0x0] =	vst v9;
	v7 =	vadd.f32 v9, v7  }
0x80: {  	v9 =	vld [tilespmem:s16+$0x0];
	[tilespmem:s13+$0x80] =	vst v8  }
0x81: {  	v10 =	vld [tilespmem:s16+$0x80];
	_ =	sdelay $0x3  }
0x82: {  	v4 =	vmul.f32 v9, v4  }
0x83: {  	v5 =	vmul.f32 v10, v5  }
0x84: {  	v9 =	vsub.f32 $1.000000000e+00, v4  }
0x85: {  	v10 =	vsub.f32 $1.000000000e+00, v5  }
0x86: {  	v9 =	vmax.f32 v9, $9.999999740e-05  }
0x87: {  	[tilespmem:s16+$0x2000] =	vst v4;
	v4 =	vmul.f32 v9, v4;
	v62 =	vmax.f32 v10, $9.999999740e-05  }
0x88: {  	v6 =	vadd.f32 v8, v6;
	[tilespmem:s16+$0x2080] =	vst v5;
	v63 =	vmul.f32 v62, v5  }
0x89: {  	[tilespmem:s16+$0x0] =	vst v4  }
0x8a: {  	v5 =	vadd.f32 v4, v7;
	[tilespmem:s16+$0x80] =	vst v63;
	v4 =	vadd.f32 v63, v6  }
.LBB2_8:
0x8b: {  	_ = 	snop  }
0x8c: {  	v6 =	vperm.xlane v5, v0;
	_ =	sdelay $0x1  }
0x8d: {  	v5 =	vadd.f32 v6, v5;
	v6 =	vperm.xlane v4, v0;
	_ =	sdelay $0x1  }
0x8e: {  	v4 =	vadd.f32 v6, v4  }
0x8f: {  	v7 =	vperm.xlane v5, v1  }
0x90: {  	v6 =	vperm.xlane v4, v1  }
0x91: {  	v5 =	vadd.f32 v7, v5  }
0x92: {  	v4 =	vadd.f32 v6, v4  }
0x93: {  	v7 =	vperm.xlane v5, v2  }
0x94: {  	v6 =	vperm.xlane v4, v2  }
0x95: {  	v5 =	vadd.f32 v7, v5  }
0x96: {  	v4 =	vadd.f32 v6, v4  }
0x97: {  	v7 =	vperm.xlane v5, v3  }
0x98: {  	v6 =	vperm.xlane v4, v3  }
0x99: {  	v5 =	vadd.f32 v7, v5  }
0x9a: {  	v4 =	vadd.f32 v6, v4  }
0x9b: {  	(erf) = vrcp.f32 v5  }
0x9c: {  	(erf) = vrcp.f32 v4  }
0x9d: {  	s13 =	simm.s32 $0x0  }
0x9e: {  	s14 =	sand.u32 $0x70, s13;
	s13 =	sand.u32 $0x1F00, s13  }
0x9f: {  	s13 =	sor.u32 s14, s13  }
0xa0: {  	v5 =	vld [tilespmem:s13+$0x0]  }
0xa1: {  	v6 =	vld [tilespmem:s13+$0x80]  }
0xa2: {  	v7 =	vld [tilespmem:s13+$0x2000]  }
0xa3: {  	v8 =	vld [tilespmem:s13+$0x2080]  }
0xa4: {  	v4 =	vpop (erf)  }
0xa5: {  	v9 =	vmul.f32 v5, v4;
	v5 =	vpop (erf)  }
0xa6: {  	v10 =	vmul.f32 v6, v5  }
0xa7: {  	v6 =	vsub.f32 $1.000000000e+00, v9;
	v7 =	vadd.f32 v7, v9  }
0xa8: {  	v8 =	vadd.f32 v8, v10;
	v11 =	vsub.f32 $1.000000000e+00, v10  }
0xa9: {  	v6 =	vmax.f32 v6, $9.999999740e-05;
	[tilespmem:s13+$0x2000] =	vst v7  }
0xaa: {  	s15 =	simm.s32 $0x10;
	s14 =	simm.s32 $0x20;
	v7 =	vmul.f32 v6, v9;
	[tilespmem:s13+$0x2080] =	vst v8;
	v8 =	vmax.f32 v11, $9.999999740e-05  }
0xab: {  	s15 =	sand.u32 $0x70, s15;
	s16 =	sand.u32 $0x1F00, s14;
	v6 =	vimm.f32 $0.0e+00;
	v8 =	vmul.f32 v8, v10  }
0xac: {  	s16 =	sor.u32 s15, s16;
	s15 =	simm.s32 $0x20;
	[tilespmem:s13+$0x0] =	vst v7;
	v7 =	vadd.f32 v7, v6  }
.LBB2_9:
0xad: {  	p0 =	sne.s32 s15, $0xFF0;
	v9 =	vld [tilespmem:s16+$0x0];
	[tilespmem:s13+$0x80] =	vst v8;
	v6 =	vadd.f32 v8, v6;
	s13 =	smov.u32 s16  }
0xae: {  	v8 =	vld [tilespmem:s13+$0x80]  }
0xaf: {  	v10 =	vld [tilespmem:s13+$0x2000]  }
0xb0: {  	v11 =	vld [tilespmem:s13+$0x2080];
	_ =	sdelay $0x1  }
0xb1: {  	v9 =	vmul.f32 v9, v4  }
0xb2: {  	v8 =	vmul.f32 v8, v5  }
0xb3: {  	v10 =	vadd.f32 v10, v9;
	v12 =	vsub.f32 $1.000000000e+00, v9  }
.Ltmp3:
0xb4: {  	v11 =	vadd.f32 v11, v8;
	v13 =	vsub.f32 $1.000000000e+00, v8;
	(pc) =	sbr.rel @p0 .LBB2_9-.Ltmp3, $4  }
0xb5: {  	[tilespmem:s13+$0x2000] =	vst v10;
	v10 =	vmax.f32 v12, $9.999999740e-05  }
0xb6: {  	s14 =	sadd.s32 $0x20, s14;
	[tilespmem:s13+$0x2080] =	vst v11;
	v9 =	vmul.f32 v10, v9;
	v10 =	vmax.f32 v13, $9.999999740e-05  }
0xb7: {  	s16 =	sand.u32 $0x70, s15;
	s17 =	sand.u32 $0x1F00, s14;
	v8 =	vmul.f32 v10, v8  }
0xb8: {  	s15 =	sadd.s32 $0x10, s15;
	s16 =	sor.u32 s16, s17;
	[tilespmem:s13+$0x0] =	vst v9;
	v7 =	vadd.f32 v9, v7  }
0xb9: {  	v9 =	vld [tilespmem:s16+$0x0];
	[tilespmem:s13+$0x80] =	vst v8  }
0xba: {  	v10 =	vld [tilespmem:s16+$0x80];
	_ =	sdelay $0x1  }
0xbb: {  	v11 =	vld [tilespmem:s16+$0x2000]  }
0xbc: {  	v12 =	vld [tilespmem:s16+$0x2080]  }
0xbd: {  	v4 =	vmul.f32 v9, v4  }
0xbe: {  	v5 =	vmul.f32 v10, v5  }
0xbf: {  	s12 =	sadd.s32 $0x1, s12;
	v9 =	vsub.f32 $1.000000000e+00, v4  }
0xc0: {  	p0 =	sne.s32 s12, $0xE;
	v60 =	vadd.f32 v11, v4;
	v61 =	vsub.f32 $1.000000000e+00, v5  }
.Ltmp4:
0xc1: {  	v12 =	vadd.f32 v12, v5;
	v9 =	vmax.f32 v9, $9.999999740e-05;
	(pc) =	sbr.rel @p0 .LBB2_8-.Ltmp4, $4  }
0xc2: {  	[tilespmem:s16+$0x2000] =	vst v60;
	v4 =	vmul.f32 v9, v4;
	v62 =	vmax.f32 v61, $9.999999740e-05  }
0xc3: {  	v6 =	vadd.f32 v8, v6;
	[tilespmem:s16+$0x2080] =	vst v12;
	v63 =	vmul.f32 v62, v5  }
0xc4: {  	[tilespmem:s16+$0x0] =	vst v4  }
0xc5: {  	v5 =	vadd.f32 v4, v7;
	[tilespmem:s16+$0x80] =	vst v63;
	v4 =	vadd.f32 v63, v6  }
0xc6: {  	_ = 	snop  }
0xc7: {  	v6 =	vperm.xlane v5, v0;
	_ =	sdelay $0x1  }
0xc8: {  	v5 =	vadd.f32 v6, v5;
	_ =	sdelay $0x1  }
0xc9: {  	v6 =	vperm.xlane v5, v1;
	_ =	sdelay $0x1  }
0xca: {  	v5 =	vadd.f32 v6, v5;
	_ =	sdelay $0x1  }
0xcb: {  	v6 =	vperm.xlane v5, v2;
	_ =	sdelay $0x1  }
0xcc: {  	v5 =	vadd.f32 v6, v5;
	_ =	sdelay $0x1  }
0xcd: {  	v6 =	vperm.xlane v5, v3;
	_ =	sdelay $0x1  }
0xce: {  	v5 =	vadd.f32 v6, v5;
	_ =	sdelay $0x1  }
0xcf: {  	(erf) = vrcp.f32 v5;
	_ =	sdelay $0x1  }
0xd0: {  	s13 =	simm.s32 $0x80  }
0xd1: {  	s12 =	simm.s32 $0x2080;
	v7 =	vld [tilespmem:s13+$0xFFFFFF80]  }
0xd2: {  	v8 =	vld [tilespmem:s12+$0xFFFFFFF0];
	v6 =	vperm.xlane v4, v0  }
0xd3: {  	v5 =	vld [tilespmem:s13+$0xFFFFFFF0]  }
0xd4: {  	v9 =	vld [tilespmem:s13+$0xFFFFFF90];
	v6 =	vadd.f32 v6, v4  }
0xd5: {  	v10 =	vld [tilespmem:s13+$0xFFFFFFA0]  }
0xd6: {  	v12 =	vld [tilespmem:s13+$0xFFFFFFB0];
	v11 =	vperm.xlane v6, v1  }
0xd7: {  	v13 =	vld [tilespmem:s13+$0xFFFFFFC0];
	v4 =	vpop (erf)  }
0xd8: {  	v15 =	vld [tilespmem:s12+$0xFFFFFF90];
	v6 =	vadd.f32 v11, v6;
	v5 =	vmul.f32 v5, v4  }
0xd9: {  	v18 =	vld [tilespmem:s12+$0xFFFFFFB0]  }
0xda: {  	v19 =	vld [tilespmem:s12+$0xFFFFFFC0];
	v14 =	vperm.xlane v6, v2;
	v5 =	vadd.f32 v5, v8  }
0xdb: {  	v22 =	vld [tilespmem:s12+$0x10]  }
0xdc: {  	v11 =	vld [tilespmem:s13+$0xFFFFFFD0];
	v9 =	vmul.f32 v9, v4;
	[tilespmem:s12+$0xFFFFFFF0] =	vst v5;
	v5 =	vadd.f32 v14, v6  }
0xdd: {  	v6 =	vld [tilespmem:s12+$0xFFFFFFA0]  }
0xde: {  	v9 =	vadd.f32 v9, v15;
	v15 =	vld [tilespmem:s12+$0xFFFFFFD0];
	v17 =	vperm.xlane v5, v3  }
0xdf: {  	v12 =	vmul.f32 v12, v4;
	v8 =	vld [tilespmem:s13+$0xFFFFFFE0]  }
0xe0: {  	v10 =	vmul.f32 v10, v4;
	v14 =	vld [tilespmem:s12+$0x70];
	v5 =	vadd.f32 v17, v5  }
0xe1: {  	v11 =	vmul.f32 v11, v4;
	v12 =	vadd.f32 v12, v18;
	[tilespmem:s12+$0xFFFFFF90] =	vst v9;
	v9 =	vld [tilespmem:s12+$0xFFFFFF80]  }
0xe2: {  	v6 =	vadd.f32 v10, v6;
	v10 =	vld [tilespmem:s12+$0xFFFFFFE0];
	(erf) = vrcp.f32 v5  }
0xe3: {  	[tilespmem:s12+$0xFFFFFFB0] =	vst v12;
	v16 =	vld [tilespmem:s13+$0x70];
	v11 =	vadd.f32 v11, v15;
	v5 =	vmul.f32 v13, v4  }
0xe4: {  	v7 =	vmul.f32 v7, v4;
	v18 =	vld [tilespmem:s13+$0x30]  }
0xe5: {  	v8 =	vmul.f32 v8, v4;
	v15 =	vld [tilespmem:s12+$0x20];
	[tilespmem:s12+$0xFFFFFFD0] =	vst v11;
	v5 =	vadd.f32 v5, v19  }
0xe6: {  	v7 =	vadd.f32 v7, v9;
	v13 =	vld [tilespmem:s13+$0x10];
	[tilespmem:s12+$0xFFFFFFA0] =	vst v6  }
0xe7: {  	v17 =	vld [tilespmem:s13+$0x20];
	[tilespmem:s12+$0xFFFFFFC0] =	vst v5;
	v5 =	vadd.f32 v8, v10  }
0xe8: {  	[tilespmem:s12+$0xFFFFFF80] =	vst v7;
	v19 =	vld [tilespmem:s13+$0x50]  }
0xe9: {  	v21 =	vld [tilespmem:s13+$0x0]  }
0xea: {  	v8 =	vld [tilespmem:s13+$0x40];
	[tilespmem:s12+$0xFFFFFFE0] =	vst v5  }
0xeb: {  	v20 =	vld [tilespmem:s13+$0x60];
	v5 =	vpop (erf)  }
0xec: {  	v6 =	vld [tilespmem:s12+$0x0];
	v7 =	vmul.f32 v16, v5  }
0xed: {  	v12 =	vld [tilespmem:s12+$0x30];
	v16 =	vmul.f32 v13, v5  }
0xee: {  	v10 =	vmul.f32 v17, v5;
	v11 =	vmul.f32 v18, v5;
	v13 =	vld [tilespmem:s12+$0x40];
	v23 =	vadd.f32 v7, v14  }
0xef: {  	v9 =	vmul.f32 v8, v5;
	v18 =	vmul.f32 v21, v5;
	v14 =	vld [tilespmem:s12+$0x50]  }
0xf0: {  	s14 =	simm.s32 $0x180;
	s15 =	simm.s32 $0x2080;
	s13 =	simm.s32 $0x0;
	v7 =	vmul.f32 v19, v5;
	v8 =	vmul.f32 v20, v5;
	v17 =	vadd.f32 v16, v22;
	v16 =	vld [tilespmem:s12+$0x60];
	[tilespmem:s12+$0x70] =	vst v23  }
.LBB2_12:
0xf1: {  	v19 =	vld [tilespmem:s14+$0xFFFFFFF0];
	s13 =	sadd.s32 $0x8, s13;
	v6 =	vadd.f32 v18, v6;
	v10 =	vadd.f32 v10, v15  }
0xf2: {  	s15 =	sadd.s32 $0x100, s15;
	v15 =	vld [tilespmem:s14+$0xFFFFFF80];
	p0 =	slt.u32 s13, $0xF8;
	[tilespmem:s12+$0x10] =	vst v17;
	v11 =	vadd.f32 v11, v12  }
0xf3: {  	v12 =	vld [tilespmem:s15+$0xFFFFFFF0];
	[tilespmem:s12+$0x0] =	vst v6;
	v6 =	vadd.f32 v9, v13  }
0xf4: {  	v9 =	vld [tilespmem:s14+$0xFFFFFF90];
	[tilespmem:s12+$0x20] =	vst v10;
	v7 =	vadd.f32 v7, v14  }
0xf5: {  	v10 =	vld [tilespmem:s14+$0xFFFFFFA0];
	[tilespmem:s12+$0x30] =	vst v11;
	v8 =	vadd.f32 v8, v16  }
0xf6: {  	v11 =	vld [tilespmem:s14+$0xFFFFFFB0];
	v13 =	vmul.f32 v19, v4;
	[tilespmem:s12+$0x40] =	vst v6  }
0xf7: {  	v14 =	vmul.f32 v15, v4;
	v6 =	vld [tilespmem:s14+$0xFFFFFFC0];
	[tilespmem:s12+$0x50] =	vst v7  }
0xf8: {  	v7 =	vld [tilespmem:s14+$0xFFFFFFD0];
	v12 =	vadd.f32 v13, v12;
	[tilespmem:s12+$0x60] =	vst v8;
	s12 =	smov.u32 s15  }
0xf9: {  	v8 =	vmul.f32 v9, v4;
	v9 =	vld [tilespmem:s14+$0xFFFFFFE0]  }
0xfa: {  	v13 =	vld [tilespmem:s15+$0xFFFFFF90];
	v10 =	vmul.f32 v10, v4;
	[tilespmem:s15+$0xFFFFFFF0] =	vst v12  }
0xfb: {  	v11 =	vmul.f32 v11, v4;
	v12 =	vld [tilespmem:s14+$0x70]  }
0xfc: {  	v15 =	vld [tilespmem:s15+$0xFFFFFFA0];
	v6 =	vmul.f32 v6, v4  }
0xfd: {  	v7 =	vmul.f32 v7, v4;
	v16 =	vld [tilespmem:s15+$0x70]  }
0xfe: {  	v17 =	vld [tilespmem:s15+$0xFFFFFFB0];
	v9 =	vmul.f32 v9, v4  }
0xff: {  	v8 =	vadd.f32 v8, v13;
	v13 =	vld [tilespmem:s15+$0xFFFFFFC0]  }
0x100: {  	v18 =	vld [tilespmem:s15+$0xFFFFFFD0];
	v12 =	vmul.f32 v12, v5  }
0x101: {  	[tilespmem:s15+$0xFFFFFF90] =	vst v8;
	v8 =	vadd.f32 v10, v15;
	v10 =	vld [tilespmem:s15+$0xFFFFFFE0]  }
0x102: {  	v15 =	vld [tilespmem:s15+$0xFFFFFF80];
	v12 =	vadd.f32 v12, v16  }
0x103: {  	v16 =	vld [tilespmem:s14+$0x10];
	[tilespmem:s15+$0xFFFFFFA0] =	vst v8;
	v8 =	vadd.f32 v11, v17  }
0x104: {  	v11 =	vld [tilespmem:s14+$0x20];
	v13 =	vadd.f32 v6, v13;
	[tilespmem:s15+$0x70] =	vst v12  }
0x105: {  	v6 =	vld [tilespmem:s15+$0x0];
	[tilespmem:s15+$0xFFFFFFB0] =	vst v8;
	v7 =	vadd.f32 v7, v18  }
0x106: {  	v8 =	vld [tilespmem:s14+$0x30];
	[tilespmem:s15+$0xFFFFFFC0] =	vst v13;
	v9 =	vadd.f32 v9, v10  }
0x107: {  	v10 =	vadd.f32 v14, v15;
	v12 =	vld [tilespmem:s14+$0x40];
	[tilespmem:s15+$0xFFFFFFD0] =	vst v7  }
0x108: {  	v16 =	vmul.f32 v16, v5;
	v7 =	vld [tilespmem:s14+$0x50];
	[tilespmem:s15+$0xFFFFFFE0] =	vst v9  }
0x109: {  	[tilespmem:s15+$0xFFFFFF80] =	vst v10;
	v10 =	vmul.f32 v11, v5;
	v14 =	vld [tilespmem:s14+$0x60]  }
0x10a: {  	v17 =	vld [tilespmem:s14+$0x0]  }
0x10b: {  	v19 =	vld [tilespmem:s15+$0x10];
	v11 =	vmul.f32 v8, v5  }
.Ltmp5:
0x10c: {  	v15 =	vld [tilespmem:s15+$0x20];
	v9 =	vmul.f32 v12, v5;
	(pc) =	sbr.rel @p0 .LBB2_12-.Ltmp5, $4  }
0x10d: {  	v12 =	vld [tilespmem:s15+$0x30];
	v7 =	vmul.f32 v7, v5  }
0x10e: {  	v13 =	vld [tilespmem:s15+$0x40];
	v8 =	vmul.f32 v14, v5  }
0x10f: {  	v18 =	vmul.f32 v17, v5;
	v14 =	vld [tilespmem:s15+$0x50]  }
0x110: {  	s14 =	sadd.s32 $0x100, s14;
	v17 =	vadd.f32 v16, v19;
	v16 =	vld [tilespmem:s15+$0x60]  }
0x111: {  	v4 =	vadd.f32 v18, v6  }
0x112: {  	v5 =	vadd.f32 v10, v15;
	[tilespmem:s12+$0x10] =	vst v17  }
0x113: {  	v62 =	vadd.f32 v11, v12;
	[tilespmem:s12+$0x0] =	vst v4  }
0x114: {  	v4 =	vadd.f32 v9, v13;
	[tilespmem:s12+$0x20] =	vst v5  }
0x115: {  	v5 =	vadd.f32 v7, v14;
	[tilespmem:s12+$0x30] =	vst v62  }
0x116: {  	s11 =	sadd.s32 $0x1, s11;
	v63 =	vadd.f32 v8, v16;
	[tilespmem:s12+$0x40] =	vst v4  }
0x117: {  	p0 =	sne.s32 s11, s6;
	[tilespmem:s12+$0x50] =	vst v5  }
.Ltmp6:
0x118: {  	[tilespmem:s12+$0x60] =	vst v63;
	(pc) =	sbr.rel @p0 .LBB2_1-.Ltmp6, $4  }
0x119: {  	[hbm4b:s5+s7] =	stream.strided.scatter [tilespmem:s10], [sflag:$0x1], $0x2000, s8, s7, $0x38;
	[tilespmem:$0x4000] =	vst v63  }
0x11a: {  	_ =	swait.ge [sflag:s9], $0x2000  }
0x11b: {  	[sflag:s9] =	ssyncset.done $0x0  }
0x11c: {  	[sflag:s9] =	ssyncadd.s32 $0xFFFFE000  }
0x11d: {  	_ =	sfence.sel $0x180000  }
0x11e: {  	[bflag:$0x0] =	sbarrier.arrive $0xFFFF  }
0x11f: {  	p0 =	sne.s32 s1, $0x0;
	_ =	strace $0x90000047  }
0x120: {  	s0 =	sadd.s32 @!p0 $0x100000, s0;
	[bflag:$0x2] =	sbarrier.arrive $0xFFFF  }
0x121: {  	[sflag:s0] =	ssyncadd.tile.s32 @!p0 $0x1;
	_ =	shalt  }
.Lfunc_end2:
_tile_overlayer_lowered:
.L_overlay_start_2:
0x122: {  	(tag) =	ssettag $0x2  }
0x123: {  	s0 =	rddreg [dreg:$0x0];
	s2 =	stileid.u32  }
0x124: {  	s1 =	rddreg [dreg:$0x1];
	p0 =	sne.s32 s2, $0x0  }
0x125: {  	s3 =	rddreg [dreg:$0x2];
	[bflag:$0x3] =	sbarrier.arrive $0xFFFF;
	s2 =	simm.s32 @!p0 $0x1C01  }
0x126: {  	[timem:s3], [sflag:s2] =	dma.local @!p0 [hbm:s0], s1  }
0x127: {  	s0 =	simm.s32 @!p0 $0x1  }
0x128: {  	_ =	swait.ge @!p0 [sflag:s0], s1  }
0x129: {  	s1 =	ssub.s32 @!p0 $0x0, s1;
	[sflag:s0] =	ssyncset.done @!p0 $0x0  }
0x12a: {  	[sflag:s0] =	ssyncadd.s32 @!p0 s1  }
0x12b: {  	[bflag:$0x3] =	sbarrier.arrive $0xFFFF  }
0x12c: {  	_ =	shalt  }

</sc_bundles>
